<compile_context>
chip_gen: v7x
topology: tpu7x:2x2x1
jax: 0.10.2.dev20260603
libtpu: 0.0.44.dev20260713+nightly
codegen_flags: <defaults>
</compile_context>

<pallas_src>
import functools

import jax
import jax.numpy as jnp
from jax import lax
from jax.experimental import pallas as pl
from jax.experimental.pallas import tpu as pltpu
from jax.experimental.pallas import tpu_sc as plsc

B = 8
D = 512
M = 65536
BM = 2048
NBLK = M // BM
LANES = 128
NCH = M // LANES
CPB = BM // LANES
K = 64
NEG = -3.0e38
EPS = 1e-8


def _split3(x):
    hi = x.astype(jnp.bfloat16)
    r = x - hi.astype(jnp.float32)
    mid = r.astype(jnp.bfloat16)
    lo = (r - mid.astype(jnp.float32)).astype(jnp.bfloat16)
    return hi, mid, lo


def _qprep_kernel(q_ref, q3_ref):
    qm = jnp.mean(q_ref[:, :, :], axis=1)
    qn = jnp.maximum(jnp.sqrt(jnp.sum(qm * qm, axis=1, keepdims=True)), EPS)
    qh = qm / qn
    hi, mid, lo = _split3(qh)
    q3_ref[:, :] = jnp.concatenate([hi, mid, lo], axis=0)


def _qprep(query):
    return pl.pallas_call(
        _qprep_kernel,
        out_shape=jax.ShapeDtypeStruct((3 * B, D), jnp.bfloat16),
    )(query)


def _sim_topk_kernel(q3_ref, mem_ref, ts_ref, ti_ref, sims_ref, cmax_ref):
    i = pl.program_id(0)

    q3 = q3_ref[:, :]
    mem = mem_ref[0]
    nb = jnp.maximum(jnp.sqrt(jnp.sum(mem * mem, axis=1, keepdims=True)), EPS)
    memn = mem / nb
    mhi, mmid, mlo = _split3(memn)
    nt = (((1,), (1,)), ((), ()))
    d3 = lax.dot_general(q3, mhi, nt, preferred_element_type=jnp.float32)
    d2 = lax.dot_general(q3[:2 * B], mmid, nt, preferred_element_type=jnp.float32)
    d1 = lax.dot_general(q3[:B], mlo, nt, preferred_element_type=jnp.float32)
    sim = ((d3[0:B] + d3[B:2 * B]) + (d3[2 * B:3 * B] + d2[0:B])
           + (d2[B:2 * B] + d1))

    for g in range(CPB):
        sims_ref[pl.ds(i * CPB + g, 1), :, :] = (
            sim[:, g * LANES:(g + 1) * LANES].reshape(1, B, LANES))

    @pl.when(i == NBLK - 1)
    def _topk():
        for s in range(NBLK):
            slab = sims_ref[pl.ds(s * CPB, CPB), :, :]
            cmax_ref[pl.ds(s * CPB, CPB), :] = jnp.max(slab, axis=2)

        lane_iota = lax.broadcasted_iota(jnp.int32, (B, LANES), 1)
        chunk_iota = lax.broadcasted_iota(jnp.int32, (NCH, B), 0)

        def body(k, carry):
            cm = cmax_ref[:, :]
            mval = jnp.max(cm, axis=0)
            cidx = jnp.argmax(cm, axis=0).astype(jnp.int32)
            rows = jnp.concatenate(
                [sims_ref[pl.ds(cidx[b], 1), pl.ds(b, 1), :].reshape(1, LANES)
                 for b in range(B)], axis=0)
            pos = jnp.argmax(rows, axis=1).astype(jnp.int32)
            gidx = cidx * LANES + pos
            ts_ref[pl.ds(k, 1), :] = mval.reshape(1, B)
            ti_ref[pl.ds(k, 1), :] = gidx.reshape(1, B)
            rows2 = jnp.where(lane_iota == pos[:, None], NEG, rows)
            for b in range(B):
                sims_ref[pl.ds(cidx[b], 1), pl.ds(b, 1), :] = rows2[b].reshape(1, 1, LANES)
            newmax = jnp.max(rows2, axis=1)
            cmax_ref[:, :] = jnp.where(chunk_iota == cidx[None, :], newmax[None, :], cm)
            return carry

        lax.fori_loop(0, K, body, 0)


def _sim_topk(q3, memory):
    return pl.pallas_call(
        _sim_topk_kernel,
        grid=(NBLK,),
        in_specs=[
            pl.BlockSpec((3 * B, D), lambda i: (0, 0)),
            pl.BlockSpec((1, BM, D), lambda i: (0, i, 0)),
        ],
        out_specs=[
            pl.BlockSpec((K, B), lambda i: (0, 0)),
            pl.BlockSpec((K, B), lambda i: (0, 0)),
        ],
        out_shape=[
            jax.ShapeDtypeStruct((K, B), jnp.float32),
            jax.ShapeDtypeStruct((K, B), jnp.int32),
        ],
        scratch_shapes=[
            pltpu.VMEM((NCH, B, LANES), jnp.float32),
            pltpu.VMEM((NCH, B), jnp.float32),
        ],
    )(q3, memory)


def _gather_sc(table, idx):
    info = plsc.get_sparse_core_info()
    NC, NS = info.num_cores, info.num_subcores
    NW = NC * NS
    n = idx.shape[0]
    bpw = n // NW
    mesh = plsc.VectorSubcoreMesh(core_axis_name="c", subcore_axis_name="s",
                                  num_cores=NC)

    @functools.partial(
        pl.kernel, mesh=mesh,
        out_type=jax.ShapeDtypeStruct((n, D), jnp.float32),
        scratch_types=[
            pltpu.VMEM((bpw,), jnp.int32),
            pltpu.VMEM((bpw, D), jnp.float32),
            pltpu.SemaphoreType.DMA,
        ],
    )
    def gk(table_hbm, idx_hbm, out_hbm, idx_v, rows_v, sem):
        wid = lax.axis_index("s") * NC + lax.axis_index("c")
        base = wid * bpw
        pltpu.sync_copy(idx_hbm.at[pl.ds(base, bpw)], idx_v)
        pltpu.async_copy(table_hbm.at[idx_v], rows_v, sem).wait()
        pltpu.sync_copy(rows_v, out_hbm.at[pl.ds(base, bpw)])

    return gk(table, idx)


def kernel(query, memory, top_k):
    q3 = _qprep(query)
    ts, ti = _sim_topk(q3, memory)
    top_sim = ts.T
    top_idx = ti.T
    rows = _gather_sc(memory[0], top_idx.reshape(-1))
    retrieved = rows.reshape(B, K, D)
    k_eff = jnp.minimum(jnp.asarray(top_k, jnp.int32), M)
    valid = jnp.arange(K, dtype=jnp.int32) < k_eff
    top_sim = jnp.where(valid[None, :], top_sim, 0.0)
    retrieved = jnp.where(valid[None, :, None], retrieved, 0.0)
    return retrieved, top_sim

# --- scband reference (transcript-rebuilt; emitter-appended) ---
"""Pipeline reference for scband-memory-bank-19490561589514 (READ-ONLY COPY).

The authoritative reference and input builder live on the scoring server;
editing this copy changes nothing except your own understanding.
"""

import jax, jax.numpy as jnp
import numpy as np


def setup_inputs(seed: int = 0) -> dict:
    key = jax.random.key(seed)
    k1, k2 = jax.random.split(key)
    query = jax.random.normal(k1, (8, 512, 512), dtype=jnp.float32)
    # learned/stored memory bank buffer (1, max_size, dim); randn so cosine sim is meaningful
    memory = jax.random.normal(k2, (1, 65536, 512), dtype=jnp.float32)
    return {"query": query, "memory": memory, "top_k": 64}


def _cosine_similarity(a, b, eps=1e-8):
    # a: (B, 1, D) broadcast against b: (B, M, D), reduce over last dim
    dot = jnp.sum(a * b, axis=-1)
    na = jnp.maximum(jnp.linalg.norm(a, axis=-1), eps)
    nb = jnp.maximum(jnp.linalg.norm(b, axis=-1), eps)
    return dot / (na * nb)


def reference(query, memory, top_k):
    # Faithful translation of MemoryBank.retrieve (use_learned_retrieval=False)
    B, N, D = query.shape
    M = memory.shape[1]
    q = jnp.mean(query, axis=1, keepdims=True)          # (B, 1, D)
    mem = jnp.broadcast_to(memory, (B, M, D))           # expand, no copy semantics
    sim = _cosine_similarity(q, mem)                    # (B, M)
    K = min(64, M)
    k_eff = jnp.minimum(jnp.asarray(top_k, jnp.int32), M)
    valid = jnp.arange(K, dtype=jnp.int32) < k_eff      # all True: top_k == K
    top_sim, top_idx = jax.lax.top_k(sim, K)            # (B, K), (B, K)
    top_sim = jnp.where(valid[None, :], top_sim, jnp.zeros_like(top_sim))
    retrieved = jnp.take_along_axis(
        mem, top_idx[:, :, None].astype(jnp.int32), axis=1
    )                                                   # gather (B, K, D)
    retrieved = jnp.where(valid[None, :, None], retrieved, jnp.zeros_like(retrieved))
    return retrieved, top_sim

if __name__ == "__main__":
    import jax
    _d = setup_inputs()
    print(jax.jit(kernel)(*tuple(_d.values())))

</pallas_src>

<mosaic_0001>
#map = affine_map<(d0, d1) -> (0, 0)>
#map1 = affine_map<(d0, d1) -> (0)>
module attributes {stable_mosaic.version = 14 : i64} {
  func.func @gk(%arg0: i32, %arg1: i32, %arg2: memref<65536x512xf32, #tpu.memory_space<hbm>>, %arg3: memref<512xi32, #tpu.memory_space<hbm>>, %arg4: memref<512x512xf32, #tpu.memory_space<hbm>>, %arg5: memref<16xi32, #tpu.memory_space<vmem>>, %arg6: memref<16x512xf32, #tpu.memory_space<vmem>>, %arg7: memref<!tpu.dma_semaphore, #tpu.memory_space<semaphore_mem>>) attributes {dimension_semantics = [#tpu.dimension_semantics<core_parallel>, #tpu.dimension_semantics<subcore_parallel>], iteration_bounds = array<i64: 2, 16>, scalar_prefetch = 0 : i64, scratch_operands = 3 : i64, tpu.core_type = #tpu.core_type<sc_vector_subcore>, window_params = [{transform_indices = #map}, {transform_indices = #map1}, {transform_indices = #map}]} {
    %mul3A = arith.constant 2 : i32
    %mul3A_0 = arith.muli %arg1, %mul3A : i32
    %add3A = arith.addi %mul3A_0, %arg0 : i32
    %mul3A_1 = arith.constant 16 : i32
    %mul3A_2 = arith.muli %add3A, %mul3A_1 : i32
    "tpu.region"() ({
      %run_scoped3A = tpu.sem_alloc : memref<!tpu.dma_semaphore, #tpu.memory_space<semaphore_mem>>
      %dma_start3A_7 = tpu.memref_slice %arg3[%mul3A_2] : memref<512xi32, #tpu.memory_space<hbm>> -> memref<16xi32, #tpu.memory_space<hbm>>
      %dma_start3A_8 = tpu.memref_slice %arg3[%mul3A_2] : memref<512xi32, #tpu.memory_space<hbm>> -> memref<16xi32, #tpu.memory_space<hbm>>
      tpu.enqueue_dma source(%dma_start3A_8 : memref<16xi32, #tpu.memory_space<hbm>>) target(%arg5 : memref<16xi32, #tpu.memory_space<vmem>>) target_semaphore(%run_scoped3A : memref<!tpu.dma_semaphore, #tpu.memory_space<semaphore_mem>>)
      %dma_wait3A_9 = tpu.memref_slice %arg3[%mul3A_2] : memref<512xi32, #tpu.memory_space<hbm>> -> memref<16xi32, #tpu.memory_space<hbm>>
      %dma_wait3A_10 = tpu.memref_slice %arg3[%mul3A_2] : memref<512xi32, #tpu.memory_space<hbm>> -> memref<16xi32, #tpu.memory_space<hbm>>
      tpu.wait_dma2 semaphore(%run_scoped3A : memref<!tpu.dma_semaphore, #tpu.memory_space<semaphore_mem>>) src(%dma_wait3A_10 : memref<16xi32, #tpu.memory_space<hbm>>) dst(%arg5 : memref<16xi32, #tpu.memory_space<vmem>>)
      tpu.yield
    }) : () -> ()
    %dma_start3A = arith.constant 0 : i32
    %dma_start3A_3 = arith.constant 0 : i32
    %dma_start3A_4 = tpu.memref_slice %arg2[%dma_start3A, %dma_start3A_3] : memref<65536x512xf32, #tpu.memory_space<hbm>> -> memref<65536x512xf32, #tpu.memory_space<hbm>>
    tpu.enqueue_indirect_dma source(%dma_start3A_4 : memref<65536x512xf32, #tpu.memory_space<hbm>>) target(%arg6 : memref<16x512xf32, #tpu.memory_space<vmem>>) offsets(%arg5 : memref<16xi32, #tpu.memory_space<vmem>>) semaphore(%arg7 : memref<!tpu.dma_semaphore, #tpu.memory_space<semaphore_mem>>)
    %dma_wait3A = arith.constant 0 : i32
    %dma_wait3A_5 = arith.constant 0 : i32
    %dma_wait3A_6 = tpu.memref_slice %arg2[%dma_wait3A, %dma_wait3A_5] : memref<65536x512xf32, #tpu.memory_space<hbm>> -> memref<65536x512xf32, #tpu.memory_space<hbm>>
    tpu.wait_indirect_dma semaphore(%arg7 : memref<!tpu.dma_semaphore, #tpu.memory_space<semaphore_mem>>) src(%dma_wait3A_6 : memref<65536x512xf32, #tpu.memory_space<hbm>>) dst(%arg6 : memref<16x512xf32, #tpu.memory_space<vmem>>)
    "tpu.region"() ({
      %run_scoped3A = tpu.sem_alloc : memref<!tpu.dma_semaphore, #tpu.memory_space<semaphore_mem>>
      %dma_start3A_7 = arith.constant 0 : i32
      %dma_start3A_8 = tpu.memref_slice %arg4[%mul3A_2, %dma_start3A_7] : memref<512x512xf32, #tpu.memory_space<hbm>> -> memref<16x512xf32, #tpu.memory_space<hbm>>
      %dma_start3A_9 = arith.constant 0 : i32
      %dma_start3A_10 = tpu.memref_slice %arg4[%mul3A_2, %dma_start3A_9] : memref<512x512xf32, #tpu.memory_space<hbm>> -> memref<16x512xf32, #tpu.memory_space<hbm>>
      tpu.enqueue_dma source(%arg6 : memref<16x512xf32, #tpu.memory_space<vmem>>) target(%dma_start3A_10 : memref<16x512xf32, #tpu.memory_space<hbm>>) target_semaphore(%run_scoped3A : memref<!tpu.dma_semaphore, #tpu.memory_space<semaphore_mem>>)
      %dma_wait3A_11 = arith.constant 0 : i32
      %dma_wait3A_12 = tpu.memref_slice %arg4[%mul3A_2, %dma_wait3A_11] : memref<512x512xf32, #tpu.memory_space<hbm>> -> memref<16x512xf32, #tpu.memory_space<hbm>>
      %dma_wait3A_13 = arith.constant 0 : i32
      %dma_wait3A_14 = tpu.memref_slice %arg4[%mul3A_2, %dma_wait3A_13] : memref<512x512xf32, #tpu.memory_space<hbm>> -> memref<16x512xf32, #tpu.memory_space<hbm>>
      tpu.wait_dma2 semaphore(%run_scoped3A : memref<!tpu.dma_semaphore, #tpu.memory_space<semaphore_mem>>) src(%arg6 : memref<16x512xf32, #tpu.memory_space<vmem>>) dst(%dma_wait3A_14 : memref<16x512xf32, #tpu.memory_space<hbm>>)
      tpu.yield
    }) : () -> ()
    return
  }
}

module attributes {stable_mosaic.version = 14 : i64} {
  func.func @_qprep_kernel(%arg0: memref<8x512x512xf32, #tpu.memory_space<vmem>>, %arg1: memref<24x512xbf16, #tpu.memory_space<vmem>>) attributes {dimension_semantics = [], scalar_prefetch = 0 : i64, scratch_operands = 0 : i64, tpu.core_type = #tpu.core_type<tc>} {
    %get3A = arith.constant 0 : index
    %get3A_0 = arith.constant 0 : index
    %get3A_1 = arith.constant 0 : index
    %get3A_2 = vector.load %arg0[%get3A, %get3A_0, %get3A_1] : memref<8x512x512xf32, #tpu.memory_space<vmem>>, vector<8x512x512xf32>
    %reduce_sum3A = arith.constant dense<0.000000e+00> : vector<8x512xf32>
    %reduce_sum3A_3 = vector.multi_reduction <add>, %get3A_2, %reduce_sum3A [1] : vector<8x512x512xf32> to vector<8x512xf32>
    %div3A = arith.constant 5.120000e+02 : f32
    %div3A_4 = vector.broadcast %div3A : f32 to vector<8x512xf32>
    %div3A_5 = arith.divf %reduce_sum3A_3, %div3A_4 : vector<8x512xf32>
    %mul3A = arith.mulf %div3A_5, %div3A_5 : vector<8x512xf32>
    %reduce_sum3A_6 = arith.constant dense<0.000000e+00> : vector<8xf32>
    %reduce_sum3A_7 = vector.multi_reduction <add>, %mul3A, %reduce_sum3A_6 [1] : vector<8x512xf32> to vector<8xf32>
    %broadcast_in_dim3A = vector.shape_cast %reduce_sum3A_7 : vector<8xf32> to vector<8x1xf32>
    %sqrt3A = math.sqrt %broadcast_in_dim3A : vector<8x1xf32>
    %max3A = arith.constant 9.99999993E-9 : f32
    %max3A_8 = vector.broadcast %max3A : f32 to vector<8x1xf32>
    %max3A_9 = arith.maximumf %sqrt3A, %max3A_8 : vector<8x1xf32>
    %div3A_10 = vector.broadcast %max3A_9 : vector<8x1xf32> to vector<8x512xf32>
    %div3A_11 = arith.divf %div3A_5, %div3A_10 : vector<8x512xf32>
    %convert_element_type3A = arith.truncf %div3A_11 : vector<8x512xf32> to vector<8x512xbf16>
    %convert_element_type3A_12 = arith.extf %convert_element_type3A : vector<8x512xbf16> to vector<8x512xf32>
    %sub3A = arith.subf %div3A_11, %convert_element_type3A_12 : vector<8x512xf32>
    %convert_element_type3A_13 = arith.truncf %sub3A : vector<8x512xf32> to vector<8x512xbf16>
    %convert_element_type3A_14 = arith.extf %convert_element_type3A_13 : vector<8x512xbf16> to vector<8x512xf32>
    %sub3A_15 = arith.subf %sub3A, %convert_element_type3A_14 : vector<8x512xf32>
    %convert_element_type3A_16 = arith.truncf %sub3A_15 : vector<8x512xf32> to vector<8x512xbf16>
    %concatenate3A = tpu.concatenate %convert_element_type3A, %convert_element_type3A_13, %convert_element_type3A_16 in 0 : vector<8x512xbf16>, vector<8x512xbf16>, vector<8x512xbf16> -> vector<24x512xbf16>
    %swap3A = arith.constant 0 : index
    %swap3A_17 = arith.constant 0 : index
    %swap3A_18 = vector.load %arg1[%swap3A, %swap3A_17] : memref<24x512xbf16, #tpu.memory_space<vmem>>, vector<24x512xbf16>
    tpu.vector_store %arg1[%swap3A, %swap3A_17], %concatenate3A {strides = array<i32>} : memref<24x512xbf16, #tpu.memory_space<vmem>>, vector<24x512xbf16>,
    return
  }
}

module attributes {stable_mosaic.version = 14 : i64} {
  func.func @_sim_topk_kernel(%arg0: i32, %arg1: memref<24x512xbf16, #tpu.memory_space<vmem>>, %arg2: memref<1x2048x512xf32, #tpu.memory_space<vmem>>, %arg3: memref<64x8xf32, #tpu.memory_space<vmem>>, %arg4: memref<64x8xi32, #tpu.memory_space<vmem>>, %arg5: memref<512x8x128xf32, #tpu.memory_space<vmem>>, %arg6: memref<512x8xf32, #tpu.memory_space<vmem>>) attributes {dimension_semantics = [#tpu.dimension_semantics<arbitrary>], iteration_bounds = array<i64: 32>, scalar_prefetch = 0 : i64, scratch_operands = 2 : i64, tpu.core_type = #tpu.core_type<tc>, window_params = [{pipeline_mode = #tpu.pipeline_mode<synchronous>, transform_indices = @transform_0, window_bounds = array<i64: 24, 512>}, {transform_indices = @transform_1, window_bounds = array<i64: 1, 2048, 512>}, {pipeline_mode = #tpu.pipeline_mode<synchronous>, transform_indices = @transform_2, window_bounds = array<i64: 64, 8>}, {pipeline_mode = #tpu.pipeline_mode<synchronous>, transform_indices = @transform_3, window_bounds = array<i64: 64, 8>}]} {
    %get3A = arith.constant 0 : index
    %get3A_0 = arith.constant 0 : index
    %get3A_1 = vector.load %arg1[%get3A, %get3A_0] : memref<24x512xbf16, #tpu.memory_space<vmem>>, vector<24x512xbf16>
    %get3A_2 = arith.constant 0 : index
    %get3A_3 = arith.constant 0 : index
    %get3A_4 = arith.constant 0 : index
    %get3A_5 = vector.load %arg2[%get3A_2, %get3A_3, %get3A_4] : memref<1x2048x512xf32, #tpu.memory_space<vmem>>, vector<1x2048x512xf32>
    %get3A_6 = vector.shape_cast %get3A_5 : vector<1x2048x512xf32> to vector<2048x512xf32>
    %mul3A = arith.mulf %get3A_6, %get3A_6 : vector<2048x512xf32>
    %reduce_sum3A = arith.constant dense<0.000000e+00> : vector<2048xf32>
    %reduce_sum3A_7 = vector.multi_reduction <add>, %mul3A, %reduce_sum3A [1] : vector<2048x512xf32> to vector<2048xf32>
    %broadcast_in_dim3A = vector.shape_cast %reduce_sum3A_7 : vector<2048xf32> to vector<2048x1xf32>
    %sqrt3A = math.sqrt %broadcast_in_dim3A : vector<2048x1xf32>
    %max3A = arith.constant 9.99999993E-9 : f32
    %max3A_8 = vector.broadcast %max3A : f32 to vector<2048x1xf32>
    %max3A_9 = arith.maximumf %sqrt3A, %max3A_8 : vector<2048x1xf32>
    %div3A = vector.broadcast %max3A_9 : vector<2048x1xf32> to vector<2048x512xf32>
    %div3A_10 = arith.divf %get3A_6, %div3A : vector<2048x512xf32>
    %convert_element_type3A = arith.truncf %div3A_10 : vector<2048x512xf32> to vector<2048x512xbf16>
    %convert_element_type3A_11 = arith.extf %convert_element_type3A : vector<2048x512xbf16> to vector<2048x512xf32>
    %sub3A = arith.subf %div3A_10, %convert_element_type3A_11 : vector<2048x512xf32>
    %convert_element_type3A_12 = arith.truncf %sub3A : vector<2048x512xf32> to vector<2048x512xbf16>
    %convert_element_type3A_13 = arith.extf %convert_element_type3A_12 : vector<2048x512xbf16> to vector<2048x512xf32>
    %sub3A_14 = arith.subf %sub3A, %convert_element_type3A_13 : vector<2048x512xf32>
    %convert_element_type3A_15 = arith.truncf %sub3A_14 : vector<2048x512xf32> to vector<2048x512xbf16>
    %dot_general3A = arith.constant dense<0.000000e+00> : vector<24x2048xf32>
    %dot_general3A_16 = tpu.matmul %get3A_1, %convert_element_type3A, %dot_general3A {dimension_numbers = #tpu.dot_dimension_numbers<[1], [1], [0], [0], [0, 0, 1, 0], [], []>, transpose_lhs_hint = false} : vector<24x512xbf16>, vector<2048x512xbf16>, vector<24x2048xf32> -> vector<24x2048xf32>
    %slice3A = vector.extract_strided_slice %get3A_1 {offsets = [0, 0], sizes = [16, 512], strides = [1, 1]} : vector<24x512xbf16> to vector<16x512xbf16>
    %dot_general3A_17 = arith.constant dense<0.000000e+00> : vector<16x2048xf32>
    %dot_general3A_18 = tpu.matmul %slice3A, %convert_element_type3A_12, %dot_general3A_17 {dimension_numbers = #tpu.dot_dimension_numbers<[1], [1], [0], [0], [0, 0, 1, 0], [], []>, transpose_lhs_hint = false} : vector<16x512xbf16>, vector<2048x512xbf16>, vector<16x2048xf32> -> vector<16x2048xf32>
    %slice3A_19 = vector.extract_strided_slice %get3A_1 {offsets = [0, 0], sizes = [8, 512], strides = [1, 1]} : vector<24x512xbf16> to vector<8x512xbf16>
    %dot_general3A_20 = arith.constant dense<0.000000e+00> : vector<8x2048xf32>
    %dot_general3A_21 = tpu.matmul %slice3A_19, %convert_element_type3A_15, %dot_general3A_20 {dimension_numbers = #tpu.dot_dimension_numbers<[1], [1], [0], [0], [0, 0, 1, 0], [], []>, transpose_lhs_hint = false} : vector<8x512xbf16>, vector<2048x512xbf16>, vector<8x2048xf32> -> vector<8x2048xf32>
    %slice3A_22 = vector.extract_strided_slice %dot_general3A_16 {offsets = [0, 0], sizes = [8, 2048], strides = [1, 1]} : vector<24x2048xf32> to vector<8x2048xf32>
    %slice3A_23 = vector.extract_strided_slice %dot_general3A_16 {offsets = [8, 0], sizes = [8, 2048], strides = [1, 1]} : vector<24x2048xf32> to vector<8x2048xf32>
    %add3A = arith.addf %slice3A_22, %slice3A_23 : vector<8x2048xf32>
    %slice3A_24 = vector.extract_strided_slice %dot_general3A_16 {offsets = [16, 0], sizes = [8, 2048], strides = [1, 1]} : vector<24x2048xf32> to vector<8x2048xf32>
    %slice3A_25 = vector.extract_strided_slice %dot_general3A_18 {offsets = [0, 0], sizes = [8, 2048], strides = [1, 1]} : vector<16x2048xf32> to vector<8x2048xf32>
    %add3A_26 = arith.addf %slice3A_24, %slice3A_25 : vector<8x2048xf32>
    %add3A_27 = arith.addf %add3A, %add3A_26 : vector<8x2048xf32>
    %slice3A_28 = vector.extract_strided_slice %dot_general3A_18 {offsets = [8, 0], sizes = [8, 2048], strides = [1, 1]} : vector<16x2048xf32> to vector<8x2048xf32>
    %add3A_29 = arith.addf %slice3A_28, %dot_general3A_21 : vector<8x2048xf32>
    %add3A_30 = arith.addf %add3A_27, %add3A_29 : vector<8x2048xf32>
    %slice3A_31 = vector.extract_strided_slice %add3A_30 {offsets = [0, 0], sizes = [8, 128], strides = [1, 1]} : vector<8x2048xf32> to vector<8x128xf32>
    %reshape3A = vector.shape_cast %slice3A_31 : vector<8x128xf32> to vector<1x8x128xf32>
    %mul3A_32 = arith.constant 16 : i32
    %mul3A_33 = arith.muli %arg0, %mul3A_32 : i32
    %add3A_34 = arith.constant 0 : i32
    %add3A_35 = arith.addi %mul3A_33, %add3A_34 : i32
    %swap3A = arith.index_cast %add3A_35 : i32 to index
    %swap3A_36 = arith.constant 0 : index
    %swap3A_37 = arith.constant 0 : index
    %swap3A_38 = vector.load %arg5[%swap3A, %swap3A_36, %swap3A_37] : memref<512x8x128xf32, #tpu.memory_space<vmem>>, vector<1x8x128xf32>
    tpu.vector_store %arg5[%swap3A, %swap3A_36, %swap3A_37], %reshape3A {strides = array<i32>} : memref<512x8x128xf32, #tpu.memory_space<vmem>>, vector<1x8x128xf32>,
    %slice3A_39 = vector.extract_strided_slice %add3A_30 {offsets = [0, 128], sizes = [8, 128], strides = [1, 1]} : vector<8x2048xf32> to vector<8x128xf32>
    %reshape3A_40 = vector.shape_cast %slice3A_39 : vector<8x128xf32> to vector<1x8x128xf32>
    %mul3A_41 = arith.constant 16 : i32
    %mul3A_42 = arith.muli %arg0, %mul3A_41 : i32
    %add3A_43 = arith.constant 1 : i32
    %add3A_44 = arith.addi %mul3A_42, %add3A_43 : i32
    %swap3A_45 = arith.index_cast %add3A_44 : i32 to index
    %swap3A_46 = arith.constant 0 : index
    %swap3A_47 = arith.constant 0 : index
    %swap3A_48 = vector.load %arg5[%swap3A_45, %swap3A_46, %swap3A_47] : memref<512x8x128xf32, #tpu.memory_space<vmem>>, vector<1x8x128xf32>
    tpu.vector_store %arg5[%swap3A_45, %swap3A_46, %swap3A_47], %reshape3A_40 {strides = array<i32>} : memref<512x8x128xf32, #tpu.memory_space<vmem>>, vector<1x8x128xf32>,
    %slice3A_49 = vector.extract_strided_slice %add3A_30 {offsets = [0, 256], sizes = [8, 128], strides = [1, 1]} : vector<8x2048xf32> to vector<8x128xf32>
    %reshape3A_50 = vector.shape_cast %slice3A_49 : vector<8x128xf32> to vector<1x8x128xf32>
    %mul3A_51 = arith.constant 16 : i32
    %mul3A_52 = arith.muli %arg0, %mul3A_51 : i32
    %add3A_53 = arith.constant 2 : i32
    %add3A_54 = arith.addi %mul3A_52, %add3A_53 : i32
    %swap3A_55 = arith.index_cast %add3A_54 : i32 to index
    %swap3A_56 = arith.constant 0 : index
    %swap3A_57 = arith.constant 0 : index
    %swap3A_58 = vector.load %arg5[%swap3A_55, %swap3A_56, %swap3A_57] : memref<512x8x128xf32, #tpu.memory_space<vmem>>, vector<1x8x128xf32>
    tpu.vector_store %arg5[%swap3A_55, %swap3A_56, %swap3A_57], %reshape3A_50 {strides = array<i32>} : memref<512x8x128xf32, #tpu.memory_space<vmem>>, vector<1x8x128xf32>,
    %slice3A_59 = vector.extract_strided_slice %add3A_30 {offsets = [0, 384], sizes = [8, 128], strides = [1, 1]} : vector<8x2048xf32> to vector<8x128xf32>
    %reshape3A_60 = vector.shape_cast %slice3A_59 : vector<8x128xf32> to vector<1x8x128xf32>
    %mul3A_61 = arith.constant 16 : i32
    %mul3A_62 = arith.muli %arg0, %mul3A_61 : i32
    %add3A_63 = arith.constant 3 : i32
    %add3A_64 = arith.addi %mul3A_62, %add3A_63 : i32
    %swap3A_65 = arith.index_cast %add3A_64 : i32 to index
    %swap3A_66 = arith.constant 0 : index
    %swap3A_67 = arith.constant 0 : index
    %swap3A_68 = vector.load %arg5[%swap3A_65, %swap3A_66, %swap3A_67] : memref<512x8x128xf32, #tpu.memory_space<vmem>>, vector<1x8x128xf32>
    tpu.vector_store %arg5[%swap3A_65, %swap3A_66, %swap3A_67], %reshape3A_60 {strides = array<i32>} : memref<512x8x128xf32, #tpu.memory_space<vmem>>, vector<1x8x128xf32>,
    %slice3A_69 = vector.extract_strided_slice %add3A_30 {offsets = [0, 512], sizes = [8, 128], strides = [1, 1]} : vector<8x2048xf32> to vector<8x128xf32>
    %reshape3A_70 = vector.shape_cast %slice3A_69 : vector<8x128xf32> to vector<1x8x128xf32>
    %mul3A_71 = arith.constant 16 : i32
    %mul3A_72 = arith.muli %arg0, %mul3A_71 : i32
    %add3A_73 = arith.constant 4 : i32
    %add3A_74 = arith.addi %mul3A_72, %add3A_73 : i32
    %swap3A_75 = arith.index_cast %add3A_74 : i32 to index
    %swap3A_76 = arith.constant 0 : index
    %swap3A_77 = arith.constant 0 : index
    %swap3A_78 = vector.load %arg5[%swap3A_75, %swap3A_76, %swap3A_77] : memref<512x8x128xf32, #tpu.memory_space<vmem>>, vector<1x8x128xf32>
    tpu.vector_store %arg5[%swap3A_75, %swap3A_76, %swap3A_77], %reshape3A_70 {strides = array<i32>} : memref<512x8x128xf32, #tpu.memory_space<vmem>>, vector<1x8x128xf32>,
    %slice3A_79 = vector.extract_strided_slice %add3A_30 {offsets = [0, 640], sizes = [8, 128], strides = [1, 1]} : vector<8x2048xf32> to vector<8x128xf32>
    %reshape3A_80 = vector.shape_cast %slice3A_79 : vector<8x128xf32> to vector<1x8x128xf32>
    %mul3A_81 = arith.constant 16 : i32
    %mul3A_82 = arith.muli %arg0, %mul3A_81 : i32
    %add3A_83 = arith.constant 5 : i32
    %add3A_84 = arith.addi %mul3A_82, %add3A_83 : i32
    %swap3A_85 = arith.index_cast %add3A_84 : i32 to index
    %swap3A_86 = arith.constant 0 : index
    %swap3A_87 = arith.constant 0 : index
    %swap3A_88 = vector.load %arg5[%swap3A_85, %swap3A_86, %swap3A_87] : memref<512x8x128xf32, #tpu.memory_space<vmem>>, vector<1x8x128xf32>
    tpu.vector_store %arg5[%swap3A_85, %swap3A_86, %swap3A_87], %reshape3A_80 {strides = array<i32>} : memref<512x8x128xf32, #tpu.memory_space<vmem>>, vector<1x8x128xf32>,
    %slice3A_89 = vector.extract_strided_slice %add3A_30 {offsets = [0, 768], sizes = [8, 128], strides = [1, 1]} : vector<8x2048xf32> to vector<8x128xf32>
    %reshape3A_90 = vector.shape_cast %slice3A_89 : vector<8x128xf32> to vector<1x8x128xf32>
    %mul3A_91 = arith.constant 16 : i32
    %mul3A_92 = arith.muli %arg0, %mul3A_91 : i32
    %add3A_93 = arith.constant 6 : i32
    %add3A_94 = arith.addi %mul3A_92, %add3A_93 : i32
    %swap3A_95 = arith.index_cast %add3A_94 : i32 to index
    %swap3A_96 = arith.constant 0 : index
    %swap3A_97 = arith.constant 0 : index
    %swap3A_98 = vector.load %arg5[%swap3A_95, %swap3A_96, %swap3A_97] : memref<512x8x128xf32, #tpu.memory_space<vmem>>, vector<1x8x128xf32>
    tpu.vector_store %arg5[%swap3A_95, %swap3A_96, %swap3A_97], %reshape3A_90 {strides = array<i32>} : memref<512x8x128xf32, #tpu.memory_space<vmem>>, vector<1x8x128xf32>,
    %slice3A_99 = vector.extract_strided_slice %add3A_30 {offsets = [0, 896], sizes = [8, 128], strides = [1, 1]} : vector<8x2048xf32> to vector<8x128xf32>
    %reshape3A_100 = vector.shape_cast %slice3A_99 : vector<8x128xf32> to vector<1x8x128xf32>
    %mul3A_101 = arith.constant 16 : i32
    %mul3A_102 = arith.muli %arg0, %mul3A_101 : i32
    %add3A_103 = arith.constant 7 : i32
    %add3A_104 = arith.addi %mul3A_102, %add3A_103 : i32
    %swap3A_105 = arith.index_cast %add3A_104 : i32 to index
    %swap3A_106 = arith.constant 0 : index
    %swap3A_107 = arith.constant 0 : index
    %swap3A_108 = vector.load %arg5[%swap3A_105, %swap3A_106, %swap3A_107] : memref<512x8x128xf32, #tpu.memory_space<vmem>>, vector<1x8x128xf32>
    tpu.vector_store %arg5[%swap3A_105, %swap3A_106, %swap3A_107], %reshape3A_100 {strides = array<i32>} : memref<512x8x128xf32, #tpu.memory_space<vmem>>, vector<1x8x128xf32>,
    %slice3A_109 = vector.extract_strided_slice %add3A_30 {offsets = [0, 1024], sizes = [8, 128], strides = [1, 1]} : vector<8x2048xf32> to vector<8x128xf32>
    %reshape3A_110 = vector.shape_cast %slice3A_109 : vector<8x128xf32> to vector<1x8x128xf32>
    %mul3A_111 = arith.constant 16 : i32
    %mul3A_112 = arith.muli %arg0, %mul3A_111 : i32
    %add3A_113 = arith.constant 8 : i32
    %add3A_114 = arith.addi %mul3A_112, %add3A_113 : i32
    %swap3A_115 = arith.index_cast %add3A_114 : i32 to index
    %swap3A_116 = arith.constant 0 : index
    %swap3A_117 = arith.constant 0 : index
    %swap3A_118 = vector.load %arg5[%swap3A_115, %swap3A_116, %swap3A_117] : memref<512x8x128xf32, #tpu.memory_space<vmem>>, vector<1x8x128xf32>
    tpu.vector_store %arg5[%swap3A_115, %swap3A_116, %swap3A_117], %reshape3A_110 {strides = array<i32>} : memref<512x8x128xf32, #tpu.memory_space<vmem>>, vector<1x8x128xf32>,
    %slice3A_119 = vector.extract_strided_slice %add3A_30 {offsets = [0, 1152], sizes = [8, 128], strides = [1, 1]} : vector<8x2048xf32> to vector<8x128xf32>
    %reshape3A_120 = vector.shape_cast %slice3A_119 : vector<8x128xf32> to vector<1x8x128xf32>
    %mul3A_121 = arith.constant 16 : i32
    %mul3A_122 = arith.muli %arg0, %mul3A_121 : i32
    %add3A_123 = arith.constant 9 : i32
    %add3A_124 = arith.addi %mul3A_122, %add3A_123 : i32
    %swap3A_125 = arith.index_cast %add3A_124 : i32 to index
    %swap3A_126 = arith.constant 0 : index
    %swap3A_127 = arith.constant 0 : index
    %swap3A_128 = vector.load %arg5[%swap3A_125, %swap3A_126, %swap3A_127] : memref<512x8x128xf32, #tpu.memory_space<vmem>>, vector<1x8x128xf32>
    tpu.vector_store %arg5[%swap3A_125, %swap3A_126, %swap3A_127], %reshape3A_120 {strides = array<i32>} : memref<512x8x128xf32, #tpu.memory_space<vmem>>, vector<1x8x128xf32>,
    %slice3A_129 = vector.extract_strided_slice %add3A_30 {offsets = [0, 1280], sizes = [8, 128], strides = [1, 1]} : vector<8x2048xf32> to vector<8x128xf32>
    %reshape3A_130 = vector.shape_cast %slice3A_129 : vector<8x128xf32> to vector<1x8x128xf32>
    %mul3A_131 = arith.constant 16 : i32
    %mul3A_132 = arith.muli %arg0, %mul3A_131 : i32
    %add3A_133 = arith.constant 10 : i32
    %add3A_134 = arith.addi %mul3A_132, %add3A_133 : i32
    %swap3A_135 = arith.index_cast %add3A_134 : i32 to index
    %swap3A_136 = arith.constant 0 : index
    %swap3A_137 = arith.constant 0 : index
    %swap3A_138 = vector.load %arg5[%swap3A_135, %swap3A_136, %swap3A_137] : memref<512x8x128xf32, #tpu.memory_space<vmem>>, vector<1x8x128xf32>
    tpu.vector_store %arg5[%swap3A_135, %swap3A_136, %swap3A_137], %reshape3A_130 {strides = array<i32>} : memref<512x8x128xf32, #tpu.memory_space<vmem>>, vector<1x8x128xf32>,
    %slice3A_139 = vector.extract_strided_slice %add3A_30 {offsets = [0, 1408], sizes = [8, 128], strides = [1, 1]} : vector<8x2048xf32> to vector<8x128xf32>
    %reshape3A_140 = vector.shape_cast %slice3A_139 : vector<8x128xf32> to vector<1x8x128xf32>
    %mul3A_141 = arith.constant 16 : i32
    %mul3A_142 = arith.muli %arg0, %mul3A_141 : i32
    %add3A_143 = arith.constant 11 : i32
    %add3A_144 = arith.addi %mul3A_142, %add3A_143 : i32
    %swap3A_145 = arith.index_cast %add3A_144 : i32 to index
    %swap3A_146 = arith.constant 0 : index
    %swap3A_147 = arith.constant 0 : index
    %swap3A_148 = vector.load %arg5[%swap3A_145, %swap3A_146, %swap3A_147] : memref<512x8x128xf32, #tpu.memory_space<vmem>>, vector<1x8x128xf32>
    tpu.vector_store %arg5[%swap3A_145, %swap3A_146, %swap3A_147], %reshape3A_140 {strides = array<i32>} : memref<512x8x128xf32, #tpu.memory_space<vmem>>, vector<1x8x128xf32>,
    %slice3A_149 = vector.extract_strided_slice %add3A_30 {offsets = [0, 1536], sizes = [8, 128], strides = [1, 1]} : vector<8x2048xf32> to vector<8x128xf32>
    %reshape3A_150 = vector.shape_cast %slice3A_149 : vector<8x128xf32> to vector<1x8x128xf32>
    %mul3A_151 = arith.constant 16 : i32
    %mul3A_152 = arith.muli %arg0, %mul3A_151 : i32
    %add3A_153 = arith.constant 12 : i32
    %add3A_154 = arith.addi %mul3A_152, %add3A_153 : i32
    %swap3A_155 = arith.index_cast %add3A_154 : i32 to index
    %swap3A_156 = arith.constant 0 : index
    %swap3A_157 = arith.constant 0 : index
    %swap3A_158 = vector.load %arg5[%swap3A_155, %swap3A_156, %swap3A_157] : memref<512x8x128xf32, #tpu.memory_space<vmem>>, vector<1x8x128xf32>
    tpu.vector_store %arg5[%swap3A_155, %swap3A_156, %swap3A_157], %reshape3A_150 {strides = array<i32>} : memref<512x8x128xf32, #tpu.memory_space<vmem>>, vector<1x8x128xf32>,
    %slice3A_159 = vector.extract_strided_slice %add3A_30 {offsets = [0, 1664], sizes = [8, 128], strides = [1, 1]} : vector<8x2048xf32> to vector<8x128xf32>
    %reshape3A_160 = vector.shape_cast %slice3A_159 : vector<8x128xf32> to vector<1x8x128xf32>
    %mul3A_161 = arith.constant 16 : i32
    %mul3A_162 = arith.muli %arg0, %mul3A_161 : i32
    %add3A_163 = arith.constant 13 : i32
    %add3A_164 = arith.addi %mul3A_162, %add3A_163 : i32
    %swap3A_165 = arith.index_cast %add3A_164 : i32 to index
    %swap3A_166 = arith.constant 0 : index
    %swap3A_167 = arith.constant 0 : index
    %swap3A_168 = vector.load %arg5[%swap3A_165, %swap3A_166, %swap3A_167] : memref<512x8x128xf32, #tpu.memory_space<vmem>>, vector<1x8x128xf32>
    tpu.vector_store %arg5[%swap3A_165, %swap3A_166, %swap3A_167], %reshape3A_160 {strides = array<i32>} : memref<512x8x128xf32, #tpu.memory_space<vmem>>, vector<1x8x128xf32>,
    %slice3A_169 = vector.extract_strided_slice %add3A_30 {offsets = [0, 1792], sizes = [8, 128], strides = [1, 1]} : vector<8x2048xf32> to vector<8x128xf32>
    %reshape3A_170 = vector.shape_cast %slice3A_169 : vector<8x128xf32> to vector<1x8x128xf32>
    %mul3A_171 = arith.constant 16 : i32
    %mul3A_172 = arith.muli %arg0, %mul3A_171 : i32
    %add3A_173 = arith.constant 14 : i32
    %add3A_174 = arith.addi %mul3A_172, %add3A_173 : i32
    %swap3A_175 = arith.index_cast %add3A_174 : i32 to index
    %swap3A_176 = arith.constant 0 : index
    %swap3A_177 = arith.constant 0 : index
    %swap3A_178 = vector.load %arg5[%swap3A_175, %swap3A_176, %swap3A_177] : memref<512x8x128xf32, #tpu.memory_space<vmem>>, vector<1x8x128xf32>
    tpu.vector_store %arg5[%swap3A_175, %swap3A_176, %swap3A_177], %reshape3A_170 {strides = array<i32>} : memref<512x8x128xf32, #tpu.memory_space<vmem>>, vector<1x8x128xf32>,
    %slice3A_179 = vector.extract_strided_slice %add3A_30 {offsets = [0, 1920], sizes = [8, 128], strides = [1, 1]} : vector<8x2048xf32> to vector<8x128xf32>
    %reshape3A_180 = vector.shape_cast %slice3A_179 : vector<8x128xf32> to vector<1x8x128xf32>
    %mul3A_181 = arith.constant 16 : i32
    %mul3A_182 = arith.muli %arg0, %mul3A_181 : i32
    %add3A_183 = arith.constant 15 : i32
    %add3A_184 = arith.addi %mul3A_182, %add3A_183 : i32
    %swap3A_185 = arith.index_cast %add3A_184 : i32 to index
    %swap3A_186 = arith.constant 0 : index
    %swap3A_187 = arith.constant 0 : index
    %swap3A_188 = vector.load %arg5[%swap3A_185, %swap3A_186, %swap3A_187] : memref<512x8x128xf32, #tpu.memory_space<vmem>>, vector<1x8x128xf32>
    tpu.vector_store %arg5[%swap3A_185, %swap3A_186, %swap3A_187], %reshape3A_180 {strides = array<i32>} : memref<512x8x128xf32, #tpu.memory_space<vmem>>, vector<1x8x128xf32>,
    %eq3A = arith.constant 31 : i32
    %eq3A_189 = arith.cmpi eq, %arg0, %eq3A : i32
    %convert_element_type3A_190 = arith.extui %eq3A_189 : i1 to i32
    %cond3A = arith.constant 0 : i32
    %cond3A_191 = arith.cmpi ne, %convert_element_type3A_190, %cond3A : i32
    scf.if %cond3A_191 {
      %get3A_192 = arith.constant 0 : index
      %get3A_193 = arith.constant 0 : index
      %get3A_194 = arith.constant 0 : index
      %get3A_195 = vector.load %arg5[%get3A_192, %get3A_193, %get3A_194] : memref<512x8x128xf32, #tpu.memory_space<vmem>>, vector<16x8x128xf32>
      %reduce_max3A = arith.constant dense<0xFF800000> : vector<16x8xf32>
      %reduce_max3A_196 = vector.multi_reduction <maximumf>, %get3A_195, %reduce_max3A [2] : vector<16x8x128xf32> to vector<16x8xf32>
      %swap3A_197 = arith.constant 0 : index
      %swap3A_198 = arith.constant 0 : index
      %swap3A_199 = vector.load %arg6[%swap3A_197, %swap3A_198] : memref<512x8xf32, #tpu.memory_space<vmem>>, vector<16x8xf32>
      tpu.vector_store %arg6[%swap3A_197, %swap3A_198], %reduce_max3A_196 {strides = array<i32>} : memref<512x8xf32, #tpu.memory_space<vmem>>, vector<16x8xf32>,
      %get3A_200 = arith.constant 16 : index
      %get3A_201 = arith.constant 0 : index
      %get3A_202 = arith.constant 0 : index
      %get3A_203 = vector.load %arg5[%get3A_200, %get3A_201, %get3A_202] : memref<512x8x128xf32, #tpu.memory_space<vmem>>, vector<16x8x128xf32>
      %reduce_max3A_204 = arith.constant dense<0xFF800000> : vector<16x8xf32>
      %reduce_max3A_205 = vector.multi_reduction <maximumf>, %get3A_203, %reduce_max3A_204 [2] : vector<16x8x128xf32> to vector<16x8xf32>
      %swap3A_206 = arith.constant 16 : index
      %swap3A_207 = arith.constant 0 : index
      %swap3A_208 = vector.load %arg6[%swap3A_206, %swap3A_207] : memref<512x8xf32, #tpu.memory_space<vmem>>, vector<16x8xf32>
      tpu.vector_store %arg6[%swap3A_206, %swap3A_207], %reduce_max3A_205 {strides = array<i32>} : memref<512x8xf32, #tpu.memory_space<vmem>>, vector<16x8xf32>,
      %get3A_209 = arith.constant 32 : index
      %get3A_210 = arith.constant 0 : index
      %get3A_211 = arith.constant 0 : index
      %get3A_212 = vector.load %arg5[%get3A_209, %get3A_210, %get3A_211] : memref<512x8x128xf32, #tpu.memory_space<vmem>>, vector<16x8x128xf32>
      %reduce_max3A_213 = arith.constant dense<0xFF800000> : vector<16x8xf32>
      %reduce_max3A_214 = vector.multi_reduction <maximumf>, %get3A_212, %reduce_max3A_213 [2] : vector<16x8x128xf32> to vector<16x8xf32>
      %swap3A_215 = arith.constant 32 : index
      %swap3A_216 = arith.constant 0 : index
      %swap3A_217 = vector.load %arg6[%swap3A_215, %swap3A_216] : memref<512x8xf32, #tpu.memory_space<vmem>>, vector<16x8xf32>
      tpu.vector_store %arg6[%swap3A_215, %swap3A_216], %reduce_max3A_214 {strides = array<i32>} : memref<512x8xf32, #tpu.memory_space<vmem>>, vector<16x8xf32>,
      %get3A_218 = arith.constant 48 : index
      %get3A_219 = arith.constant 0 : index
      %get3A_220 = arith.constant 0 : index
      %get3A_221 = vector.load %arg5[%get3A_218, %get3A_219, %get3A_220] : memref<512x8x128xf32, #tpu.memory_space<vmem>>, vector<16x8x128xf32>
      %reduce_max3A_222 = arith.constant dense<0xFF800000> : vector<16x8xf32>
      %reduce_max3A_223 = vector.multi_reduction <maximumf>, %get3A_221, %reduce_max3A_222 [2] : vector<16x8x128xf32> to vector<16x8xf32>
      %swap3A_224 = arith.constant 48 : index
      %swap3A_225 = arith.constant 0 : index
      %swap3A_226 = vector.load %arg6[%swap3A_224, %swap3A_225] : memref<512x8xf32, #tpu.memory_space<vmem>>, vector<16x8xf32>
      tpu.vector_store %arg6[%swap3A_224, %swap3A_225], %reduce_max3A_223 {strides = array<i32>} : memref<512x8xf32, #tpu.memory_space<vmem>>, vector<16x8xf32>,
      %get3A_227 = arith.constant 64 : index
      %get3A_228 = arith.constant 0 : index
      %get3A_229 = arith.constant 0 : index
      %get3A_230 = vector.load %arg5[%get3A_227, %get3A_228, %get3A_229] : memref<512x8x128xf32, #tpu.memory_space<vmem>>, vector<16x8x128xf32>
      %reduce_max3A_231 = arith.constant dense<0xFF800000> : vector<16x8xf32>
      %reduce_max3A_232 = vector.multi_reduction <maximumf>, %get3A_230, %reduce_max3A_231 [2] : vector<16x8x128xf32> to vector<16x8xf32>
      %swap3A_233 = arith.constant 64 : index
      %swap3A_234 = arith.constant 0 : index
      %swap3A_235 = vector.load %arg6[%swap3A_233, %swap3A_234] : memref<512x8xf32, #tpu.memory_space<vmem>>, vector<16x8xf32>
      tpu.vector_store %arg6[%swap3A_233, %swap3A_234], %reduce_max3A_232 {strides = array<i32>} : memref<512x8xf32, #tpu.memory_space<vmem>>, vector<16x8xf32>,
      %get3A_236 = arith.constant 80 : index
      %get3A_237 = arith.constant 0 : index
      %get3A_238 = arith.constant 0 : index
      %get3A_239 = vector.load %arg5[%get3A_236, %get3A_237, %get3A_238] : memref<512x8x128xf32, #tpu.memory_space<vmem>>, vector<16x8x128xf32>
      %reduce_max3A_240 = arith.constant dense<0xFF800000> : vector<16x8xf32>
      %reduce_max3A_241 = vector.multi_reduction <maximumf>, %get3A_239, %reduce_max3A_240 [2] : vector<16x8x128xf32> to vector<16x8xf32>
      %swap3A_242 = arith.constant 80 : index
      %swap3A_243 = arith.constant 0 : index
      %swap3A_244 = vector.load %arg6[%swap3A_242, %swap3A_243] : memref<512x8xf32, #tpu.memory_space<vmem>>, vector<16x8xf32>
      tpu.vector_store %arg6[%swap3A_242, %swap3A_243], %reduce_max3A_241 {strides = array<i32>} : memref<512x8xf32, #tpu.memory_space<vmem>>, vector<16x8xf32>,
      %get3A_245 = arith.constant 96 : index
      %get3A_246 = arith.constant 0 : index
      %get3A_247 = arith.constant 0 : index
      %get3A_248 = vector.load %arg5[%get3A_245, %get3A_246, %get3A_247] : memref<512x8x128xf32, #tpu.memory_space<vmem>>, vector<16x8x128xf32>
      %reduce_max3A_249 = arith.constant dense<0xFF800000> : vector<16x8xf32>
      %reduce_max3A_250 = vector.multi_reduction <maximumf>, %get3A_248, %reduce_max3A_249 [2] : vector<16x8x128xf32> to vector<16x8xf32>
      %swap3A_251 = arith.constant 96 : index
      %swap3A_252 = arith.constant 0 : index
      %swap3A_253 = vector.load %arg6[%swap3A_251, %swap3A_252] : memref<512x8xf32, #tpu.memory_space<vmem>>, vector<16x8xf32>
      tpu.vector_store %arg6[%swap3A_251, %swap3A_252], %reduce_max3A_250 {strides = array<i32>} : memref<512x8xf32, #tpu.memory_space<vmem>>, vector<16x8xf32>,
      %get3A_254 = arith.constant 112 : index
      %get3A_255 = arith.constant 0 : index
      %get3A_256 = arith.constant 0 : index
      %get3A_257 = vector.load %arg5[%get3A_254, %get3A_255, %get3A_256] : memref<512x8x128xf32, #tpu.memory_space<vmem>>, vector<16x8x128xf32>
      %reduce_max3A_258 = arith.constant dense<0xFF800000> : vector<16x8xf32>
      %reduce_max3A_259 = vector.multi_reduction <maximumf>, %get3A_257, %reduce_max3A_258 [2] : vector<16x8x128xf32> to vector<16x8xf32>
      %swap3A_260 = arith.constant 112 : index
      %swap3A_261 = arith.constant 0 : index
      %swap3A_262 = vector.load %arg6[%swap3A_260, %swap3A_261] : memref<512x8xf32, #tpu.memory_space<vmem>>, vector<16x8xf32>
      tpu.vector_store %arg6[%swap3A_260, %swap3A_261], %reduce_max3A_259 {strides = array<i32>} : memref<512x8xf32, #tpu.memory_space<vmem>>, vector<16x8xf32>,
      %get3A_263 = arith.constant 128 : index
      %get3A_264 = arith.constant 0 : index
      %get3A_265 = arith.constant 0 : index
      %get3A_266 = vector.load %arg5[%get3A_263, %get3A_264, %get3A_265] : memref<512x8x128xf32, #tpu.memory_space<vmem>>, vector<16x8x128xf32>
      %reduce_max3A_267 = arith.constant dense<0xFF800000> : vector<16x8xf32>
      %reduce_max3A_268 = vector.multi_reduction <maximumf>, %get3A_266, %reduce_max3A_267 [2] : vector<16x8x128xf32> to vector<16x8xf32>
      %swap3A_269 = arith.constant 128 : index
      %swap3A_270 = arith.constant 0 : index
      %swap3A_271 = vector.load %arg6[%swap3A_269, %swap3A_270] : memref<512x8xf32, #tpu.memory_space<vmem>>, vector<16x8xf32>
      tpu.vector_store %arg6[%swap3A_269, %swap3A_270], %reduce_max3A_268 {strides = array<i32>} : memref<512x8xf32, #tpu.memory_space<vmem>>, vector<16x8xf32>,
      %get3A_272 = arith.constant 144 : index
      %get3A_273 = arith.constant 0 : index
      %get3A_274 = arith.constant 0 : index
      %get3A_275 = vector.load %arg5[%get3A_272, %get3A_273, %get3A_274] : memref<512x8x128xf32, #tpu.memory_space<vmem>>, vector<16x8x128xf32>
      %reduce_max3A_276 = arith.constant dense<0xFF800000> : vector<16x8xf32>
      %reduce_max3A_277 = vector.multi_reduction <maximumf>, %get3A_275, %reduce_max3A_276 [2] : vector<16x8x128xf32> to vector<16x8xf32>
      %swap3A_278 = arith.constant 144 : index
      %swap3A_279 = arith.constant 0 : index
      %swap3A_280 = vector.load %arg6[%swap3A_278, %swap3A_279] : memref<512x8xf32, #tpu.memory_space<vmem>>, vector<16x8xf32>
      tpu.vector_store %arg6[%swap3A_278, %swap3A_279], %reduce_max3A_277 {strides = array<i32>} : memref<512x8xf32, #tpu.memory_space<vmem>>, vector<16x8xf32>,
      %get3A_281 = arith.constant 160 : index
      %get3A_282 = arith.constant 0 : index
      %get3A_283 = arith.constant 0 : index
      %get3A_284 = vector.load %arg5[%get3A_281, %get3A_282, %get3A_283] : memref<512x8x128xf32, #tpu.memory_space<vmem>>, vector<16x8x128xf32>
      %reduce_max3A_285 = arith.constant dense<0xFF800000> : vector<16x8xf32>
      %reduce_max3A_286 = vector.multi_reduction <maximumf>, %get3A_284, %reduce_max3A_285 [2] : vector<16x8x128xf32> to vector<16x8xf32>
      %swap3A_287 = arith.constant 160 : index
      %swap3A_288 = arith.constant 0 : index
      %swap3A_289 = vector.load %arg6[%swap3A_287, %swap3A_288] : memref<512x8xf32, #tpu.memory_space<vmem>>, vector<16x8xf32>
      tpu.vector_store %arg6[%swap3A_287, %swap3A_288], %reduce_max3A_286 {strides = array<i32>} : memref<512x8xf32, #tpu.memory_space<vmem>>, vector<16x8xf32>,
      %get3A_290 = arith.constant 176 : index
      %get3A_291 = arith.constant 0 : index
      %get3A_292 = arith.constant 0 : index
      %get3A_293 = vector.load %arg5[%get3A_290, %get3A_291, %get3A_292] : memref<512x8x128xf32, #tpu.memory_space<vmem>>, vector<16x8x128xf32>
      %reduce_max3A_294 = arith.constant dense<0xFF800000> : vector<16x8xf32>
      %reduce_max3A_295 = vector.multi_reduction <maximumf>, %get3A_293, %reduce_max3A_294 [2] : vector<16x8x128xf32> to vector<16x8xf32>
      %swap3A_296 = arith.constant 176 : index
      %swap3A_297 = arith.constant 0 : index
      %swap3A_298 = vector.load %arg6[%swap3A_296, %swap3A_297] : memref<512x8xf32, #tpu.memory_space<vmem>>, vector<16x8xf32>
      tpu.vector_store %arg6[%swap3A_296, %swap3A_297], %reduce_max3A_295 {strides = array<i32>} : memref<512x8xf32, #tpu.memory_space<vmem>>, vector<16x8xf32>,
      %get3A_299 = arith.constant 192 : index
      %get3A_300 = arith.constant 0 : index
      %get3A_301 = arith.constant 0 : index
      %get3A_302 = vector.load %arg5[%get3A_299, %get3A_300, %get3A_301] : memref<512x8x128xf32, #tpu.memory_space<vmem>>, vector<16x8x128xf32>
      %reduce_max3A_303 = arith.constant dense<0xFF800000> : vector<16x8xf32>
      %reduce_max3A_304 = vector.multi_reduction <maximumf>, %get3A_302, %reduce_max3A_303 [2] : vector<16x8x128xf32> to vector<16x8xf32>
      %swap3A_305 = arith.constant 192 : index
      %swap3A_306 = arith.constant 0 : index
      %swap3A_307 = vector.load %arg6[%swap3A_305, %swap3A_306] : memref<512x8xf32, #tpu.memory_space<vmem>>, vector<16x8xf32>
      tpu.vector_store %arg6[%swap3A_305, %swap3A_306], %reduce_max3A_304 {strides = array<i32>} : memref<512x8xf32, #tpu.memory_space<vmem>>, vector<16x8xf32>,
      %get3A_308 = arith.constant 208 : index
      %get3A_309 = arith.constant 0 : index
      %get3A_310 = arith.constant 0 : index
      %get3A_311 = vector.load %arg5[%get3A_308, %get3A_309, %get3A_310] : memref<512x8x128xf32, #tpu.memory_space<vmem>>, vector<16x8x128xf32>
      %reduce_max3A_312 = arith.constant dense<0xFF800000> : vector<16x8xf32>
      %reduce_max3A_313 = vector.multi_reduction <maximumf>, %get3A_311, %reduce_max3A_312 [2] : vector<16x8x128xf32> to vector<16x8xf32>
      %swap3A_314 = arith.constant 208 : index
      %swap3A_315 = arith.constant 0 : index
      %swap3A_316 = vector.load %arg6[%swap3A_314, %swap3A_315] : memref<512x8xf32, #tpu.memory_space<vmem>>, vector<16x8xf32>
      tpu.vector_store %arg6[%swap3A_314, %swap3A_315], %reduce_max3A_313 {strides = array<i32>} : memref<512x8xf32, #tpu.memory_space<vmem>>, vector<16x8xf32>,
      %get3A_317 = arith.constant 224 : index
      %get3A_318 = arith.constant 0 : index
      %get3A_319 = arith.constant 0 : index
      %get3A_320 = vector.load %arg5[%get3A_317, %get3A_318, %get3A_319] : memref<512x8x128xf32, #tpu.memory_space<vmem>>, vector<16x8x128xf32>
      %reduce_max3A_321 = arith.constant dense<0xFF800000> : vector<16x8xf32>
      %reduce_max3A_322 = vector.multi_reduction <maximumf>, %get3A_320, %reduce_max3A_321 [2] : vector<16x8x128xf32> to vector<16x8xf32>
      %swap3A_323 = arith.constant 224 : index
      %swap3A_324 = arith.constant 0 : index
      %swap3A_325 = vector.load %arg6[%swap3A_323, %swap3A_324] : memref<512x8xf32, #tpu.memory_space<vmem>>, vector<16x8xf32>
      tpu.vector_store %arg6[%swap3A_323, %swap3A_324], %reduce_max3A_322 {strides = array<i32>} : memref<512x8xf32, #tpu.memory_space<vmem>>, vector<16x8xf32>,
      %get3A_326 = arith.constant 240 : index
      %get3A_327 = arith.constant 0 : index
      %get3A_328 = arith.constant 0 : index
      %get3A_329 = vector.load %arg5[%get3A_326, %get3A_327, %get3A_328] : memref<512x8x128xf32, #tpu.memory_space<vmem>>, vector<16x8x128xf32>
      %reduce_max3A_330 = arith.constant dense<0xFF800000> : vector<16x8xf32>
      %reduce_max3A_331 = vector.multi_reduction <maximumf>, %get3A_329, %reduce_max3A_330 [2] : vector<16x8x128xf32> to vector<16x8xf32>
      %swap3A_332 = arith.constant 240 : index
      %swap3A_333 = arith.constant 0 : index
      %swap3A_334 = vector.load %arg6[%swap3A_332, %swap3A_333] : memref<512x8xf32, #tpu.memory_space<vmem>>, vector<16x8xf32>
      tpu.vector_store %arg6[%swap3A_332, %swap3A_333], %reduce_max3A_331 {strides = array<i32>} : memref<512x8xf32, #tpu.memory_space<vmem>>, vector<16x8xf32>,
      %get3A_335 = arith.constant 256 : index
      %get3A_336 = arith.constant 0 : index
      %get3A_337 = arith.constant 0 : index
      %get3A_338 = vector.load %arg5[%get3A_335, %get3A_336, %get3A_337] : memref<512x8x128xf32, #tpu.memory_space<vmem>>, vector<16x8x128xf32>
      %reduce_max3A_339 = arith.constant dense<0xFF800000> : vector<16x8xf32>
      %reduce_max3A_340 = vector.multi_reduction <maximumf>, %get3A_338, %reduce_max3A_339 [2] : vector<16x8x128xf32> to vector<16x8xf32>
      %swap3A_341 = arith.constant 256 : index
      %swap3A_342 = arith.constant 0 : index
      %swap3A_343 = vector.load %arg6[%swap3A_341, %swap3A_342] : memref<512x8xf32, #tpu.memory_space<vmem>>, vector<16x8xf32>
      tpu.vector_store %arg6[%swap3A_341, %swap3A_342], %reduce_max3A_340 {strides = array<i32>} : memref<512x8xf32, #tpu.memory_space<vmem>>, vector<16x8xf32>,
      %get3A_344 = arith.constant 272 : index
      %get3A_345 = arith.constant 0 : index
      %get3A_346 = arith.constant 0 : index
      %get3A_347 = vector.load %arg5[%get3A_344, %get3A_345, %get3A_346] : memref<512x8x128xf32, #tpu.memory_space<vmem>>, vector<16x8x128xf32>
      %reduce_max3A_348 = arith.constant dense<0xFF800000> : vector<16x8xf32>
      %reduce_max3A_349 = vector.multi_reduction <maximumf>, %get3A_347, %reduce_max3A_348 [2] : vector<16x8x128xf32> to vector<16x8xf32>
      %swap3A_350 = arith.constant 272 : index
      %swap3A_351 = arith.constant 0 : index
      %swap3A_352 = vector.load %arg6[%swap3A_350, %swap3A_351] : memref<512x8xf32, #tpu.memory_space<vmem>>, vector<16x8xf32>
      tpu.vector_store %arg6[%swap3A_350, %swap3A_351], %reduce_max3A_349 {strides = array<i32>} : memref<512x8xf32, #tpu.memory_space<vmem>>, vector<16x8xf32>,
      %get3A_353 = arith.constant 288 : index
      %get3A_354 = arith.constant 0 : index
      %get3A_355 = arith.constant 0 : index
      %get3A_356 = vector.load %arg5[%get3A_353, %get3A_354, %get3A_355] : memref<512x8x128xf32, #tpu.memory_space<vmem>>, vector<16x8x128xf32>
      %reduce_max3A_357 = arith.constant dense<0xFF800000> : vector<16x8xf32>
      %reduce_max3A_358 = vector.multi_reduction <maximumf>, %get3A_356, %reduce_max3A_357 [2] : vector<16x8x128xf32> to vector<16x8xf32>
      %swap3A_359 = arith.constant 288 : index
      %swap3A_360 = arith.constant 0 : index
      %swap3A_361 = vector.load %arg6[%swap3A_359, %swap3A_360] : memref<512x8xf32, #tpu.memory_space<vmem>>, vector<16x8xf32>
      tpu.vector_store %arg6[%swap3A_359, %swap3A_360], %reduce_max3A_358 {strides = array<i32>} : memref<512x8xf32, #tpu.memory_space<vmem>>, vector<16x8xf32>,
      %get3A_362 = arith.constant 304 : index
      %get3A_363 = arith.constant 0 : index
      %get3A_364 = arith.constant 0 : index
      %get3A_365 = vector.load %arg5[%get3A_362, %get3A_363, %get3A_364] : memref<512x8x128xf32, #tpu.memory_space<vmem>>, vector<16x8x128xf32>
      %reduce_max3A_366 = arith.constant dense<0xFF800000> : vector<16x8xf32>
      %reduce_max3A_367 = vector.multi_reduction <maximumf>, %get3A_365, %reduce_max3A_366 [2] : vector<16x8x128xf32> to vector<16x8xf32>
      %swap3A_368 = arith.constant 304 : index
      %swap3A_369 = arith.constant 0 : index
      %swap3A_370 = vector.load %arg6[%swap3A_368, %swap3A_369] : memref<512x8xf32, #tpu.memory_space<vmem>>, vector<16x8xf32>
      tpu.vector_store %arg6[%swap3A_368, %swap3A_369], %reduce_max3A_367 {strides = array<i32>} : memref<512x8xf32, #tpu.memory_space<vmem>>, vector<16x8xf32>,
      %get3A_371 = arith.constant 320 : index
      %get3A_372 = arith.constant 0 : index
      %get3A_373 = arith.constant 0 : index
      %get3A_374 = vector.load %arg5[%get3A_371, %get3A_372, %get3A_373] : memref<512x8x128xf32, #tpu.memory_space<vmem>>, vector<16x8x128xf32>
      %reduce_max3A_375 = arith.constant dense<0xFF800000> : vector<16x8xf32>
      %reduce_max3A_376 = vector.multi_reduction <maximumf>, %get3A_374, %reduce_max3A_375 [2] : vector<16x8x128xf32> to vector<16x8xf32>
      %swap3A_377 = arith.constant 320 : index
      %swap3A_378 = arith.constant 0 : index
      %swap3A_379 = vector.load %arg6[%swap3A_377, %swap3A_378] : memref<512x8xf32, #tpu.memory_space<vmem>>, vector<16x8xf32>
      tpu.vector_store %arg6[%swap3A_377, %swap3A_378], %reduce_max3A_376 {strides = array<i32>} : memref<512x8xf32, #tpu.memory_space<vmem>>, vector<16x8xf32>,
      %get3A_380 = arith.constant 336 : index
      %get3A_381 = arith.constant 0 : index
      %get3A_382 = arith.constant 0 : index
      %get3A_383 = vector.load %arg5[%get3A_380, %get3A_381, %get3A_382] : memref<512x8x128xf32, #tpu.memory_space<vmem>>, vector<16x8x128xf32>
      %reduce_max3A_384 = arith.constant dense<0xFF800000> : vector<16x8xf32>
      %reduce_max3A_385 = vector.multi_reduction <maximumf>, %get3A_383, %reduce_max3A_384 [2] : vector<16x8x128xf32> to vector<16x8xf32>
      %swap3A_386 = arith.constant 336 : index
      %swap3A_387 = arith.constant 0 : index
      %swap3A_388 = vector.load %arg6[%swap3A_386, %swap3A_387] : memref<512x8xf32, #tpu.memory_space<vmem>>, vector<16x8xf32>
      tpu.vector_store %arg6[%swap3A_386, %swap3A_387], %reduce_max3A_385 {strides = array<i32>} : memref<512x8xf32, #tpu.memory_space<vmem>>, vector<16x8xf32>,
      %get3A_389 = arith.constant 352 : index
      %get3A_390 = arith.constant 0 : index
      %get3A_391 = arith.constant 0 : index
      %get3A_392 = vector.load %arg5[%get3A_389, %get3A_390, %get3A_391] : memref<512x8x128xf32, #tpu.memory_space<vmem>>, vector<16x8x128xf32>
      %reduce_max3A_393 = arith.constant dense<0xFF800000> : vector<16x8xf32>
      %reduce_max3A_394 = vector.multi_reduction <maximumf>, %get3A_392, %reduce_max3A_393 [2] : vector<16x8x128xf32> to vector<16x8xf32>
      %swap3A_395 = arith.constant 352 : index
      %swap3A_396 = arith.constant 0 : index
      %swap3A_397 = vector.load %arg6[%swap3A_395, %swap3A_396] : memref<512x8xf32, #tpu.memory_space<vmem>>, vector<16x8xf32>
      tpu.vector_store %arg6[%swap3A_395, %swap3A_396], %reduce_max3A_394 {strides = array<i32>} : memref<512x8xf32, #tpu.memory_space<vmem>>, vector<16x8xf32>,
      %get3A_398 = arith.constant 368 : index
      %get3A_399 = arith.constant 0 : index
      %get3A_400 = arith.constant 0 : index
      %get3A_401 = vector.load %arg5[%get3A_398, %get3A_399, %get3A_400] : memref<512x8x128xf32, #tpu.memory_space<vmem>>, vector<16x8x128xf32>
      %reduce_max3A_402 = arith.constant dense<0xFF800000> : vector<16x8xf32>
      %reduce_max3A_403 = vector.multi_reduction <maximumf>, %get3A_401, %reduce_max3A_402 [2] : vector<16x8x128xf32> to vector<16x8xf32>
      %swap3A_404 = arith.constant 368 : index
      %swap3A_405 = arith.constant 0 : index
      %swap3A_406 = vector.load %arg6[%swap3A_404, %swap3A_405] : memref<512x8xf32, #tpu.memory_space<vmem>>, vector<16x8xf32>
      tpu.vector_store %arg6[%swap3A_404, %swap3A_405], %reduce_max3A_403 {strides = array<i32>} : memref<512x8xf32, #tpu.memory_space<vmem>>, vector<16x8xf32>,
      %get3A_407 = arith.constant 384 : index
      %get3A_408 = arith.constant 0 : index
      %get3A_409 = arith.constant 0 : index
      %get3A_410 = vector.load %arg5[%get3A_407, %get3A_408, %get3A_409] : memref<512x8x128xf32, #tpu.memory_space<vmem>>, vector<16x8x128xf32>
      %reduce_max3A_411 = arith.constant dense<0xFF800000> : vector<16x8xf32>
      %reduce_max3A_412 = vector.multi_reduction <maximumf>, %get3A_410, %reduce_max3A_411 [2] : vector<16x8x128xf32> to vector<16x8xf32>
      %swap3A_413 = arith.constant 384 : index
      %swap3A_414 = arith.constant 0 : index
      %swap3A_415 = vector.load %arg6[%swap3A_413, %swap3A_414] : memref<512x8xf32, #tpu.memory_space<vmem>>, vector<16x8xf32>
      tpu.vector_store %arg6[%swap3A_413, %swap3A_414], %reduce_max3A_412 {strides = array<i32>} : memref<512x8xf32, #tpu.memory_space<vmem>>, vector<16x8xf32>,
      %get3A_416 = arith.constant 400 : index
      %get3A_417 = arith.constant 0 : index
      %get3A_418 = arith.constant 0 : index
      %get3A_419 = vector.load %arg5[%get3A_416, %get3A_417, %get3A_418] : memref<512x8x128xf32, #tpu.memory_space<vmem>>, vector<16x8x128xf32>
      %reduce_max3A_420 = arith.constant dense<0xFF800000> : vector<16x8xf32>
      %reduce_max3A_421 = vector.multi_reduction <maximumf>, %get3A_419, %reduce_max3A_420 [2] : vector<16x8x128xf32> to vector<16x8xf32>
      %swap3A_422 = arith.constant 400 : index
      %swap3A_423 = arith.constant 0 : index
      %swap3A_424 = vector.load %arg6[%swap3A_422, %swap3A_423] : memref<512x8xf32, #tpu.memory_space<vmem>>, vector<16x8xf32>
      tpu.vector_store %arg6[%swap3A_422, %swap3A_423], %reduce_max3A_421 {strides = array<i32>} : memref<512x8xf32, #tpu.memory_space<vmem>>, vector<16x8xf32>,
      %get3A_425 = arith.constant 416 : index
      %get3A_426 = arith.constant 0 : index
      %get3A_427 = arith.constant 0 : index
      %get3A_428 = vector.load %arg5[%get3A_425, %get3A_426, %get3A_427] : memref<512x8x128xf32, #tpu.memory_space<vmem>>, vector<16x8x128xf32>
      %reduce_max3A_429 = arith.constant dense<0xFF800000> : vector<16x8xf32>
      %reduce_max3A_430 = vector.multi_reduction <maximumf>, %get3A_428, %reduce_max3A_429 [2] : vector<16x8x128xf32> to vector<16x8xf32>
      %swap3A_431 = arith.constant 416 : index
      %swap3A_432 = arith.constant 0 : index
      %swap3A_433 = vector.load %arg6[%swap3A_431, %swap3A_432] : memref<512x8xf32, #tpu.memory_space<vmem>>, vector<16x8xf32>
      tpu.vector_store %arg6[%swap3A_431, %swap3A_432], %reduce_max3A_430 {strides = array<i32>} : memref<512x8xf32, #tpu.memory_space<vmem>>, vector<16x8xf32>,
      %get3A_434 = arith.constant 432 : index
      %get3A_435 = arith.constant 0 : index
      %get3A_436 = arith.constant 0 : index
      %get3A_437 = vector.load %arg5[%get3A_434, %get3A_435, %get3A_436] : memref<512x8x128xf32, #tpu.memory_space<vmem>>, vector<16x8x128xf32>
      %reduce_max3A_438 = arith.constant dense<0xFF800000> : vector<16x8xf32>
      %reduce_max3A_439 = vector.multi_reduction <maximumf>, %get3A_437, %reduce_max3A_438 [2] : vector<16x8x128xf32> to vector<16x8xf32>
      %swap3A_440 = arith.constant 432 : index
      %swap3A_441 = arith.constant 0 : index
      %swap3A_442 = vector.load %arg6[%swap3A_440, %swap3A_441] : memref<512x8xf32, #tpu.memory_space<vmem>>, vector<16x8xf32>
      tpu.vector_store %arg6[%swap3A_440, %swap3A_441], %reduce_max3A_439 {strides = array<i32>} : memref<512x8xf32, #tpu.memory_space<vmem>>, vector<16x8xf32>,
      %get3A_443 = arith.constant 448 : index
      %get3A_444 = arith.constant 0 : index
      %get3A_445 = arith.constant 0 : index
      %get3A_446 = vector.load %arg5[%get3A_443, %get3A_444, %get3A_445] : memref<512x8x128xf32, #tpu.memory_space<vmem>>, vector<16x8x128xf32>
      %reduce_max3A_447 = arith.constant dense<0xFF800000> : vector<16x8xf32>
      %reduce_max3A_448 = vector.multi_reduction <maximumf>, %get3A_446, %reduce_max3A_447 [2] : vector<16x8x128xf32> to vector<16x8xf32>
      %swap3A_449 = arith.constant 448 : index
      %swap3A_450 = arith.constant 0 : index
      %swap3A_451 = vector.load %arg6[%swap3A_449, %swap3A_450] : memref<512x8xf32, #tpu.memory_space<vmem>>, vector<16x8xf32>
      tpu.vector_store %arg6[%swap3A_449, %swap3A_450], %reduce_max3A_448 {strides = array<i32>} : memref<512x8xf32, #tpu.memory_space<vmem>>, vector<16x8xf32>,
      %get3A_452 = arith.constant 464 : index
      %get3A_453 = arith.constant 0 : index
      %get3A_454 = arith.constant 0 : index
      %get3A_455 = vector.load %arg5[%get3A_452, %get3A_453, %get3A_454] : memref<512x8x128xf32, #tpu.memory_space<vmem>>, vector<16x8x128xf32>
      %reduce_max3A_456 = arith.constant dense<0xFF800000> : vector<16x8xf32>
      %reduce_max3A_457 = vector.multi_reduction <maximumf>, %get3A_455, %reduce_max3A_456 [2] : vector<16x8x128xf32> to vector<16x8xf32>
      %swap3A_458 = arith.constant 464 : index
      %swap3A_459 = arith.constant 0 : index
      %swap3A_460 = vector.load %arg6[%swap3A_458, %swap3A_459] : memref<512x8xf32, #tpu.memory_space<vmem>>, vector<16x8xf32>
      tpu.vector_store %arg6[%swap3A_458, %swap3A_459], %reduce_max3A_457 {strides = array<i32>} : memref<512x8xf32, #tpu.memory_space<vmem>>, vector<16x8xf32>,
      %get3A_461 = arith.constant 480 : index
      %get3A_462 = arith.constant 0 : index
      %get3A_463 = arith.constant 0 : index
      %get3A_464 = vector.load %arg5[%get3A_461, %get3A_462, %get3A_463] : memref<512x8x128xf32, #tpu.memory_space<vmem>>, vector<16x8x128xf32>
      %reduce_max3A_465 = arith.constant dense<0xFF800000> : vector<16x8xf32>
      %reduce_max3A_466 = vector.multi_reduction <maximumf>, %get3A_464, %reduce_max3A_465 [2] : vector<16x8x128xf32> to vector<16x8xf32>
      %swap3A_467 = arith.constant 480 : index
      %swap3A_468 = arith.constant 0 : index
      %swap3A_469 = vector.load %arg6[%swap3A_467, %swap3A_468] : memref<512x8xf32, #tpu.memory_space<vmem>>, vector<16x8xf32>
      tpu.vector_store %arg6[%swap3A_467, %swap3A_468], %reduce_max3A_466 {strides = array<i32>} : memref<512x8xf32, #tpu.memory_space<vmem>>, vector<16x8xf32>,
      %get3A_470 = arith.constant 496 : index
      %get3A_471 = arith.constant 0 : index
      %get3A_472 = arith.constant 0 : index
      %get3A_473 = vector.load %arg5[%get3A_470, %get3A_471, %get3A_472] : memref<512x8x128xf32, #tpu.memory_space<vmem>>, vector<16x8x128xf32>
      %reduce_max3A_474 = arith.constant dense<0xFF800000> : vector<16x8xf32>
      %reduce_max3A_475 = vector.multi_reduction <maximumf>, %get3A_473, %reduce_max3A_474 [2] : vector<16x8x128xf32> to vector<16x8xf32>
      %swap3A_476 = arith.constant 496 : index
      %swap3A_477 = arith.constant 0 : index
      %swap3A_478 = vector.load %arg6[%swap3A_476, %swap3A_477] : memref<512x8xf32, #tpu.memory_space<vmem>>, vector<16x8xf32>
      tpu.vector_store %arg6[%swap3A_476, %swap3A_477], %reduce_max3A_475 {strides = array<i32>} : memref<512x8xf32, #tpu.memory_space<vmem>>, vector<16x8xf32>,
      %iota3A = tpu.iota {dimensions = array<i32: 1>} : vector<8x128xi32>
      %iota3A_479 = tpu.iota {dimensions = array<i32: 0>} : vector<512x8xi32>
      %scan3A = arith.constant 0 : i32
      %scan3A_480 = arith.constant 64 : i32
      %scan3A_481 = arith.addi %scan3A, %scan3A_480 : i32
      %scan3A_482 = arith.constant 1 : i32
      scf.for %scan3A_484 = %scan3A to %scan3A_481 step %scan3A_482  : i32 {
        %get3A_485 = arith.constant 0 : index
        %get3A_486 = arith.constant 0 : index
        %get3A_487 = vector.load %arg6[%get3A_485, %get3A_486] : memref<512x8xf32, #tpu.memory_space<vmem>>, vector<512x8xf32>
        %reduce_max3A_488 = arith.constant dense<0xFF800000> : vector<8xf32>
        %reduce_max3A_489 = vector.multi_reduction <maximumf>, %get3A_487, %reduce_max3A_488 [0] : vector<512x8xf32> to vector<8xf32>
        %argmax3A = tpu.reduce_index %get3A_487 {axis = 0 : i32, kind = #tpu.reduction_kind<arg_max>} : vector<512x8xf32> -> vector<8xi32>
        %slice3A_490 = vector.extract_strided_slice %argmax3A {offsets = [0], sizes = [1], strides = [1]} : vector<8xi32> to vector<1xi32>
        %squeeze3A = vector.extract %slice3A_490[0] : i32 from vector<1xi32>
        %get3A_491 = arith.index_cast %squeeze3A : i32 to index
        %get3A_492 = arith.constant 0 : index
        %get3A_493 = arith.constant 0 : index
        %get3A_494 = vector.load %arg5[%get3A_491, %get3A_492, %get3A_493] : memref<512x8x128xf32, #tpu.memory_space<vmem>>, vector<1x1x128xf32>
        %reshape3A_495 = vector.shape_cast %get3A_494 : vector<1x1x128xf32> to vector<1x128xf32>
        %slice3A_496 = vector.extract_strided_slice %argmax3A {offsets = [1], sizes = [1], strides = [1]} : vector<8xi32> to vector<1xi32>
        %squeeze3A_497 = vector.extract %slice3A_496[0] : i32 from vector<1xi32>
        %get3A_498 = arith.index_cast %squeeze3A_497 : i32 to index
        %get3A_499 = arith.constant 1 : index
        %get3A_500 = arith.constant 0 : index
        %get3A_501 = vector.load %arg5[%get3A_498, %get3A_499, %get3A_500] : memref<512x8x128xf32, #tpu.memory_space<vmem>>, vector<1x1x128xf32>
        %reshape3A_502 = vector.shape_cast %get3A_501 : vector<1x1x128xf32> to vector<1x128xf32>
        %slice3A_503 = vector.extract_strided_slice %argmax3A {offsets = [2], sizes = [1], strides = [1]} : vector<8xi32> to vector<1xi32>
        %squeeze3A_504 = vector.extract %slice3A_503[0] : i32 from vector<1xi32>
        %get3A_505 = arith.index_cast %squeeze3A_504 : i32 to index
        %get3A_506 = arith.constant 2 : index
        %get3A_507 = arith.constant 0 : index
        %get3A_508 = vector.load %arg5[%get3A_505, %get3A_506, %get3A_507] : memref<512x8x128xf32, #tpu.memory_space<vmem>>, vector<1x1x128xf32>
        %reshape3A_509 = vector.shape_cast %get3A_508 : vector<1x1x128xf32> to vector<1x128xf32>
        %slice3A_510 = vector.extract_strided_slice %argmax3A {offsets = [3], sizes = [1], strides = [1]} : vector<8xi32> to vector<1xi32>
        %squeeze3A_511 = vector.extract %slice3A_510[0] : i32 from vector<1xi32>
        %get3A_512 = arith.index_cast %squeeze3A_511 : i32 to index
        %get3A_513 = arith.constant 3 : index
        %get3A_514 = arith.constant 0 : index
        %get3A_515 = vector.load %arg5[%get3A_512, %get3A_513, %get3A_514] : memref<512x8x128xf32, #tpu.memory_space<vmem>>, vector<1x1x128xf32>
        %reshape3A_516 = vector.shape_cast %get3A_515 : vector<1x1x128xf32> to vector<1x128xf32>
        %slice3A_517 = vector.extract_strided_slice %argmax3A {offsets = [4], sizes = [1], strides = [1]} : vector<8xi32> to vector<1xi32>
        %squeeze3A_518 = vector.extract %slice3A_517[0] : i32 from vector<1xi32>
        %get3A_519 = arith.index_cast %squeeze3A_518 : i32 to index
        %get3A_520 = arith.constant 4 : index
        %get3A_521 = arith.constant 0 : index
        %get3A_522 = vector.load %arg5[%get3A_519, %get3A_520, %get3A_521] : memref<512x8x128xf32, #tpu.memory_space<vmem>>, vector<1x1x128xf32>
        %reshape3A_523 = vector.shape_cast %get3A_522 : vector<1x1x128xf32> to vector<1x128xf32>
        %slice3A_524 = vector.extract_strided_slice %argmax3A {offsets = [5], sizes = [1], strides = [1]} : vector<8xi32> to vector<1xi32>
        %squeeze3A_525 = vector.extract %slice3A_524[0] : i32 from vector<1xi32>
        %get3A_526 = arith.index_cast %squeeze3A_525 : i32 to index
        %get3A_527 = arith.constant 5 : index
        %get3A_528 = arith.constant 0 : index
        %get3A_529 = vector.load %arg5[%get3A_526, %get3A_527, %get3A_528] : memref<512x8x128xf32, #tpu.memory_space<vmem>>, vector<1x1x128xf32>
        %reshape3A_530 = vector.shape_cast %get3A_529 : vector<1x1x128xf32> to vector<1x128xf32>
        %slice3A_531 = vector.extract_strided_slice %argmax3A {offsets = [6], sizes = [1], strides = [1]} : vector<8xi32> to vector<1xi32>
        %squeeze3A_532 = vector.extract %slice3A_531[0] : i32 from vector<1xi32>
        %get3A_533 = arith.index_cast %squeeze3A_532 : i32 to index
        %get3A_534 = arith.constant 6 : index
        %get3A_535 = arith.constant 0 : index
        %get3A_536 = vector.load %arg5[%get3A_533, %get3A_534, %get3A_535] : memref<512x8x128xf32, #tpu.memory_space<vmem>>, vector<1x1x128xf32>
        %reshape3A_537 = vector.shape_cast %get3A_536 : vector<1x1x128xf32> to vector<1x128xf32>
        %slice3A_538 = vector.extract_strided_slice %argmax3A {offsets = [7], sizes = [1], strides = [1]} : vector<8xi32> to vector<1xi32>
        %squeeze3A_539 = vector.extract %slice3A_538[0] : i32 from vector<1xi32>
        %get3A_540 = arith.index_cast %squeeze3A_539 : i32 to index
        %get3A_541 = arith.constant 7 : index
        %get3A_542 = arith.constant 0 : index
        %get3A_543 = vector.load %arg5[%get3A_540, %get3A_541, %get3A_542] : memref<512x8x128xf32, #tpu.memory_space<vmem>>, vector<1x1x128xf32>
        %reshape3A_544 = vector.shape_cast %get3A_543 : vector<1x1x128xf32> to vector<1x128xf32>
        %concatenate3A = tpu.concatenate %reshape3A_495, %reshape3A_502, %reshape3A_509, %reshape3A_516, %reshape3A_523, %reshape3A_530, %reshape3A_537, %reshape3A_544 in 0 : vector<1x128xf32>, vector<1x128xf32>, vector<1x128xf32>, vector<1x128xf32>, vector<1x128xf32>, vector<1x128xf32>, vector<1x128xf32>, vector<1x128xf32> -> vector<8x128xf32>
        %argmax3A_545 = tpu.reduce_index %concatenate3A {axis = 1 : i32, kind = #tpu.reduction_kind<arg_max>} : vector<8x128xf32> -> vector<8xi32>
        %mul3A_546 = arith.constant 128 : i32
        %mul3A_547 = vector.broadcast %mul3A_546 : i32 to vector<8xi32>
        %mul3A_548 = arith.muli %argmax3A, %mul3A_547 : vector<8xi32>
        %add3A_549 = arith.addi %mul3A_548, %argmax3A_545 : vector<8xi32>
        %reshape3A_550 = vector.shape_cast %reduce_max3A_489 : vector<8xf32> to vector<1x8xf32>
        %swap3A_551 = arith.index_cast %scan3A_484 : i32 to index
        %swap3A_552 = arith.constant 0 : index
        %swap3A_553 = vector.load %arg3[%swap3A_551, %swap3A_552] : memref<64x8xf32, #tpu.memory_space<vmem>>, vector<1x8xf32>
        tpu.vector_store %arg3[%swap3A_551, %swap3A_552], %reshape3A_550 {strides = array<i32>} : memref<64x8xf32, #tpu.memory_space<vmem>>, vector<1x8xf32>,
        %reshape3A_554 = vector.shape_cast %add3A_549 : vector<8xi32> to vector<1x8xi32>
        %swap3A_555 = arith.index_cast %scan3A_484 : i32 to index
        %swap3A_556 = arith.constant 0 : index
        %swap3A_557 = vector.load %arg4[%swap3A_555, %swap3A_556] : memref<64x8xi32, #tpu.memory_space<vmem>>, vector<1x8xi32>
        tpu.vector_store %arg4[%swap3A_555, %swap3A_556], %reshape3A_554 {strides = array<i32>} : memref<64x8xi32, #tpu.memory_space<vmem>>, vector<1x8xi32>,
        %broadcast_in_dim3A_558 = vector.shape_cast %argmax3A_545 : vector<8xi32> to vector<8x1xi32>
        %eq3A_559 = vector.broadcast %broadcast_in_dim3A_558 : vector<8x1xi32> to vector<8x128xi32>
        %eq3A_560 = arith.cmpi eq, %iota3A, %eq3A_559 : vector<8x128xi32>
        %jit3A = arith.constant -3.000000e+38 : f32
        %broadcast_in_dim3A_561 = vector.broadcast %jit3A : f32 to vector<8x128xf32>
        %select_n3A = arith.select %eq3A_560, %broadcast_in_dim3A_561, %concatenate3A : vector<8x128xi1>, vector<8x128xf32>
        %slice3A_562 = vector.extract_strided_slice %select_n3A {offsets = [0, 0], sizes = [1, 128], strides = [1, 1]} : vector<8x128xf32> to vector<1x128xf32>
        %squeeze3A_563 = vector.shape_cast %slice3A_562 : vector<1x128xf32> to vector<128xf32>
        %reshape3A_564 = vector.shape_cast %squeeze3A_563 : vector<128xf32> to vector<1x1x128xf32>
        %slice3A_565 = vector.extract_strided_slice %argmax3A {offsets = [0], sizes = [1], strides = [1]} : vector<8xi32> to vector<1xi32>
        %squeeze3A_566 = vector.extract %slice3A_565[0] : i32 from vector<1xi32>
        %swap3A_567 = arith.index_cast %squeeze3A_566 : i32 to index
        %swap3A_568 = arith.constant 0 : index
        %swap3A_569 = arith.constant 0 : index
        %swap3A_570 = vector.load %arg5[%swap3A_567, %swap3A_568, %swap3A_569] : memref<512x8x128xf32, #tpu.memory_space<vmem>>, vector<1x1x128xf32>
        tpu.vector_store %arg5[%swap3A_567, %swap3A_568, %swap3A_569], %reshape3A_564 {strides = array<i32>} : memref<512x8x128xf32, #tpu.memory_space<vmem>>, vector<1x1x128xf32>,
        %slice3A_571 = vector.extract_strided_slice %select_n3A {offsets = [1, 0], sizes = [1, 128], strides = [1, 1]} : vector<8x128xf32> to vector<1x128xf32>
        %squeeze3A_572 = vector.shape_cast %slice3A_571 : vector<1x128xf32> to vector<128xf32>
        %reshape3A_573 = vector.shape_cast %squeeze3A_572 : vector<128xf32> to vector<1x1x128xf32>
        %slice3A_574 = vector.extract_strided_slice %argmax3A {offsets = [1], sizes = [1], strides = [1]} : vector<8xi32> to vector<1xi32>
        %squeeze3A_575 = vector.extract %slice3A_574[0] : i32 from vector<1xi32>
        %swap3A_576 = arith.index_cast %squeeze3A_575 : i32 to index
        %swap3A_577 = arith.constant 1 : index
        %swap3A_578 = arith.constant 0 : index
        %swap3A_579 = vector.load %arg5[%swap3A_576, %swap3A_577, %swap3A_578] : memref<512x8x128xf32, #tpu.memory_space<vmem>>, vector<1x1x128xf32>
        tpu.vector_store %arg5[%swap3A_576, %swap3A_577, %swap3A_578], %reshape3A_573 {strides = array<i32>} : memref<512x8x128xf32, #tpu.memory_space<vmem>>, vector<1x1x128xf32>,
        %slice3A_580 = vector.extract_strided_slice %select_n3A {offsets = [2, 0], sizes = [1, 128], strides = [1, 1]} : vector<8x128xf32> to vector<1x128xf32>
        %squeeze3A_581 = vector.shape_cast %slice3A_580 : vector<1x128xf32> to vector<128xf32>
        %reshape3A_582 = vector.shape_cast %squeeze3A_581 : vector<128xf32> to vector<1x1x128xf32>
        %slice3A_583 = vector.extract_strided_slice %argmax3A {offsets = [2], sizes = [1], strides = [1]} : vector<8xi32> to vector<1xi32>
        %squeeze3A_584 = vector.extract %slice3A_583[0] : i32 from vector<1xi32>
        %swap3A_585 = arith.index_cast %squeeze3A_584 : i32 to index
        %swap3A_586 = arith.constant 2 : index
        %swap3A_587 = arith.constant 0 : index
        %swap3A_588 = vector.load %arg5[%swap3A_585, %swap3A_586, %swap3A_587] : memref<512x8x128xf32, #tpu.memory_space<vmem>>, vector<1x1x128xf32>
        tpu.vector_store %arg5[%swap3A_585, %swap3A_586, %swap3A_587], %reshape3A_582 {strides = array<i32>} : memref<512x8x128xf32, #tpu.memory_space<vmem>>, vector<1x1x128xf32>,
        %slice3A_589 = vector.extract_strided_slice %select_n3A {offsets = [3, 0], sizes = [1, 128], strides = [1, 1]} : vector<8x128xf32> to vector<1x128xf32>
        %squeeze3A_590 = vector.shape_cast %slice3A_589 : vector<1x128xf32> to vector<128xf32>
        %reshape3A_591 = vector.shape_cast %squeeze3A_590 : vector<128xf32> to vector<1x1x128xf32>
        %slice3A_592 = vector.extract_strided_slice %argmax3A {offsets = [3], sizes = [1], strides = [1]} : vector<8xi32> to vector<1xi32>
        %squeeze3A_593 = vector.extract %slice3A_592[0] : i32 from vector<1xi32>
        %swap3A_594 = arith.index_cast %squeeze3A_593 : i32 to index
        %swap3A_595 = arith.constant 3 : index
        %swap3A_596 = arith.constant 0 : index
        %swap3A_597 = vector.load %arg5[%swap3A_594, %swap3A_595, %swap3A_596] : memref<512x8x128xf32, #tpu.memory_space<vmem>>, vector<1x1x128xf32>
        tpu.vector_store %arg5[%swap3A_594, %swap3A_595, %swap3A_596], %reshape3A_591 {strides = array<i32>} : memref<512x8x128xf32, #tpu.memory_space<vmem>>, vector<1x1x128xf32>,
        %slice3A_598 = vector.extract_strided_slice %select_n3A {offsets = [4, 0], sizes = [1, 128], strides = [1, 1]} : vector<8x128xf32> to vector<1x128xf32>
        %squeeze3A_599 = vector.shape_cast %slice3A_598 : vector<1x128xf32> to vector<128xf32>
        %reshape3A_600 = vector.shape_cast %squeeze3A_599 : vector<128xf32> to vector<1x1x128xf32>
        %slice3A_601 = vector.extract_strided_slice %argmax3A {offsets = [4], sizes = [1], strides = [1]} : vector<8xi32> to vector<1xi32>
        %squeeze3A_602 = vector.extract %slice3A_601[0] : i32 from vector<1xi32>
        %swap3A_603 = arith.index_cast %squeeze3A_602 : i32 to index
        %swap3A_604 = arith.constant 4 : index
        %swap3A_605 = arith.constant 0 : index
        %swap3A_606 = vector.load %arg5[%swap3A_603, %swap3A_604, %swap3A_605] : memref<512x8x128xf32, #tpu.memory_space<vmem>>, vector<1x1x128xf32>
        tpu.vector_store %arg5[%swap3A_603, %swap3A_604, %swap3A_605], %reshape3A_600 {strides = array<i32>} : memref<512x8x128xf32, #tpu.memory_space<vmem>>, vector<1x1x128xf32>,
        %slice3A_607 = vector.extract_strided_slice %select_n3A {offsets = [5, 0], sizes = [1, 128], strides = [1, 1]} : vector<8x128xf32> to vector<1x128xf32>
        %squeeze3A_608 = vector.shape_cast %slice3A_607 : vector<1x128xf32> to vector<128xf32>
        %reshape3A_609 = vector.shape_cast %squeeze3A_608 : vector<128xf32> to vector<1x1x128xf32>
        %slice3A_610 = vector.extract_strided_slice %argmax3A {offsets = [5], sizes = [1], strides = [1]} : vector<8xi32> to vector<1xi32>
        %squeeze3A_611 = vector.extract %slice3A_610[0] : i32 from vector<1xi32>
        %swap3A_612 = arith.index_cast %squeeze3A_611 : i32 to index
        %swap3A_613 = arith.constant 5 : index
        %swap3A_614 = arith.constant 0 : index
        %swap3A_615 = vector.load %arg5[%swap3A_612, %swap3A_613, %swap3A_614] : memref<512x8x128xf32, #tpu.memory_space<vmem>>, vector<1x1x128xf32>
        tpu.vector_store %arg5[%swap3A_612, %swap3A_613, %swap3A_614], %reshape3A_609 {strides = array<i32>} : memref<512x8x128xf32, #tpu.memory_space<vmem>>, vector<1x1x128xf32>,
        %slice3A_616 = vector.extract_strided_slice %select_n3A {offsets = [6, 0], sizes = [1, 128], strides = [1, 1]} : vector<8x128xf32> to vector<1x128xf32>
        %squeeze3A_617 = vector.shape_cast %slice3A_616 : vector<1x128xf32> to vector<128xf32>
        %reshape3A_618 = vector.shape_cast %squeeze3A_617 : vector<128xf32> to vector<1x1x128xf32>
        %slice3A_619 = vector.extract_strided_slice %argmax3A {offsets = [6], sizes = [1], strides = [1]} : vector<8xi32> to vector<1xi32>
        %squeeze3A_620 = vector.extract %slice3A_619[0] : i32 from vector<1xi32>
        %swap3A_621 = arith.index_cast %squeeze3A_620 : i32 to index
        %swap3A_622 = arith.constant 6 : index
        %swap3A_623 = arith.constant 0 : index
        %swap3A_624 = vector.load %arg5[%swap3A_621, %swap3A_622, %swap3A_623] : memref<512x8x128xf32, #tpu.memory_space<vmem>>, vector<1x1x128xf32>
        tpu.vector_store %arg5[%swap3A_621, %swap3A_622, %swap3A_623], %reshape3A_618 {strides = array<i32>} : memref<512x8x128xf32, #tpu.memory_space<vmem>>, vector<1x1x128xf32>,
        %slice3A_625 = vector.extract_strided_slice %select_n3A {offsets = [7, 0], sizes = [1, 128], strides = [1, 1]} : vector<8x128xf32> to vector<1x128xf32>
        %squeeze3A_626 = vector.shape_cast %slice3A_625 : vector<1x128xf32> to vector<128xf32>
        %reshape3A_627 = vector.shape_cast %squeeze3A_626 : vector<128xf32> to vector<1x1x128xf32>
        %slice3A_628 = vector.extract_strided_slice %argmax3A {offsets = [7], sizes = [1], strides = [1]} : vector<8xi32> to vector<1xi32>
        %squeeze3A_629 = vector.extract %slice3A_628[0] : i32 from vector<1xi32>
        %swap3A_630 = arith.index_cast %squeeze3A_629 : i32 to index
        %swap3A_631 = arith.constant 7 : index
        %swap3A_632 = arith.constant 0 : index
        %swap3A_633 = vector.load %arg5[%swap3A_630, %swap3A_631, %swap3A_632] : memref<512x8x128xf32, #tpu.memory_space<vmem>>, vector<1x1x128xf32>
        tpu.vector_store %arg5[%swap3A_630, %swap3A_631, %swap3A_632], %reshape3A_627 {strides = array<i32>} : memref<512x8x128xf32, #tpu.memory_space<vmem>>, vector<1x1x128xf32>,
        %reduce_max3A_634 = arith.constant dense<0xFF800000> : vector<8xf32>
        %reduce_max3A_635 = vector.multi_reduction <maximumf>, %select_n3A, %reduce_max3A_634 [1] : vector<8x128xf32> to vector<8xf32>
        %broadcast_in_dim3A_636 = vector.shape_cast %argmax3A : vector<8xi32> to vector<1x8xi32>
        %eq3A_637 = vector.broadcast %broadcast_in_dim3A_636 : vector<1x8xi32> to vector<512x8xi32>
        %eq3A_638 = arith.cmpi eq, %iota3A_479, %eq3A_637 : vector<512x8xi32>
        %broadcast_in_dim3A_639 = vector.shape_cast %reduce_max3A_635 : vector<8xf32> to vector<1x8xf32>
        %broadcast_in_dim3A_640 = vector.shape_cast %broadcast_in_dim3A_639 : vector<1x8xf32> to vector<1x8xf32>
        %broadcast_in_dim3A_641 = vector.broadcast %broadcast_in_dim3A_640 : vector<1x8xf32> to vector<512x8xf32>
        %select_n3A_642 = arith.select %eq3A_638, %broadcast_in_dim3A_641, %get3A_487 : vector<512x8xi1>, vector<512x8xf32>
        %swap3A_643 = arith.constant 0 : index
        %swap3A_644 = arith.constant 0 : index
        %swap3A_645 = vector.load %arg6[%swap3A_643, %swap3A_644] : memref<512x8xf32, #tpu.memory_space<vmem>>, vector<512x8xf32>
        tpu.vector_store %arg6[%swap3A_643, %swap3A_644], %select_n3A_642 {strides = array<i32>} : memref<512x8xf32, #tpu.memory_space<vmem>>, vector<512x8xf32>,
      }
      %scan3A_483 = arith.constant 64 : i32
    } else {
    }
    return
  }
  func.func @transform_0(%arg0: i32) -> (i32, i32) {
    %c0_i32 = arith.constant 0 : i32
    %c0_i32_0 = arith.constant 0 : i32
    %c0_i32_1 = arith.constant 0 : i32
    return %c0_i32, %c0_i32_0 : i32, i32
  }
  func.func @transform_1(%arg0: i32) -> (i32, i32, i32) {
    %c0_i32 = arith.constant 0 : i32
    %c0_i32_0 = arith.constant 0 : i32
    %c0_i32_1 = arith.constant 0 : i32
    return %c0_i32, %arg0, %c0_i32_0 : i32, i32, i32
  }
  func.func @transform_2(%arg0: i32) -> (i32, i32) {
    %c0_i32 = arith.constant 0 : i32
    %c0_i32_0 = arith.constant 0 : i32
    %c0_i32_1 = arith.constant 0 : i32
    return %c0_i32, %c0_i32_0 : i32, i32
  }
  func.func @transform_3(%arg0: i32) -> (i32, i32) {
    %c0_i32 = arith.constant 0 : i32
    %c0_i32_0 = arith.constant 0 : i32
    %c0_i32_1 = arith.constant 0 : i32
    return %c0_i32, %c0_i32_0 : i32, i32
  }
}

</mosaic_0001>

<sc_bundles>
// kernel: kernel.5.cloned.1.call-start
scs
__scs_entry_jumppad:
0x0: {  	(pc) =	sbr.rel $0x88, $3  }
0x1: {  	(tag) =	ssettag $0x0;
	lr =	simm.s32 $0x1  }
0x2: {  	[smem:$0x3F9E] =	sst lr;
	_ =	strace $0xD0000000  }
0x3: {  	_ = 	snop  }
0x4: {  	_ = 	snop  }
0x5: {  	_ = 	snop  }
0x6: {  	_ = 	snop  }
0x7: {  	_ = 	snop  }
__scs_overlays_trampoline_lowered:
0x8: {  	[smem:$0x3FAD] =	sst s0  }
0x9: {  	[smem:$0x3FAE] =	sst s1  }
0xa: {  	[smem:$0x3FAF] =	sst s2  }
0xb: {  	[smem:$0x3FB0] =	sst s3  }
0xc: {  	[smem:$0x3FB1] =	sst s4  }
0xd: {  	[smem:$0x3FB2] =	sst s5  }
0xe: {  	[smem:$0x3FB3] =	sst s6  }
0xf: {  	[smem:$0x3FB4] =	sst s7  }
0x10: {  	[smem:$0x3FB5] =	sst s8  }
0x11: {  	[smem:$0x3FB6] =	sst s9;
	s0 =	simm.s32 @!p0 $0x0  }
0x12: {  	s1 =	sld [smem:$0x3F9C];
	s0 =	simm.s32 @p0 $0x1  }
0x13: {  	[smem:$0x3FB7] =	sst s0;
	s0 =	simm.s32 @!p1 $0x0  }
0x14: {  	s2 =	sld [smem:$0x3F9B];
	s0 =	simm.s32 @p1 $0x1  }
0x15: {  	[smem:$0x3FB8] =	sst s0;
	s0 =	simm.s32 @!p2 $0x0  }
0x16: {  	s3 =	sld [smem:$0x3FDB];
	s0 =	simm.s32 @p2 $0x1  }
0x17: {  	s4 =	simm.s32 $0x1BF5;
	[smem:$0x3FBA] =	sst s0  }
0x18: {  	s0 =	sld [smem:$0x3F9D];
	_ =	swait.ge [sflag:s4], $0x0  }
0x19: {  	s7 =	sld [smem:$0x3F9E]  }
0x1a: {  	s8 =	sadd.s32 $0xFFFFE003, lr  }
0x1b: {  	s9 =	sadd.s32 $0xFFFFFEF7, lr;
	s5 =	simm.s32 $0xFFFFFFFF;
	p2 =	slt.u32 s8, $0xFFFFF086  }
0x1c: {  	p1 =	slt.u32 s9, $0xF7A;
	s5 =	simm.s32 @!p2 $0x0  }
0x1d: {  	s5 =	simm.s32 @p1 $0x1;
	p0 =	seq.s32 s7, s2  }
0x1e: {  	s7 =	smul.u32 @!p0 $0xF7A, s2;
	p2 =	seq.s32 @!p0 s5, $0x0  }
0x1f: {  	s9 =	smul.u32 $0xF7A, s1;
	s8 =	simm.s32 @!p0 $0x1BF5;
	p2 =	por !p2, p0  }
0x20: {  	[sflag:s8] =	ssyncset.s32 @!p0 $0xFFFFF086;
	s6 =	sadd.s32 @!p0 s3, s7;
	s7 =	simm.s32 @!p0 $0x108  }
0x21: {  	s3 =	sadd.s32 s3, s9;
	s6 =	sadd.s32 @!p0 $0x88, s6;
	s7 =	simm.s32 @p2 $0x1082  }
0x22: {  	[simem:s7], [sflag:s8] =	dma.local @!p0 [hbm:s6], $0xF7A  }
0x23: {  	s9 =	sor.u32 $0xD0000000, s2;
	s6 =	simm.s32 $0x108;
	_ =	swait.ge @!p0 [sflag:s8], $0x0  }
0x24: {  	s3 =	sadd.s32 $0x88, s3;
	s6 =	simm.s32 @!p1 $0x1082;
	[sflag:s4] =	ssyncset.s32 $0xFFFFF086  }
0x25: {  	[simem:s6], [sflag:s4] =	dma.local [hbm:s3], $0xF7A  }
0x26: {  	[smem:$0x3F9E] =	sst s1;
	(tag) =	ssettag s2;
	_ =	strace s9  }
0x27: {  	s1 =	sld [smem:$0x3FAE]  }
0x28: {  	s2 =	sld [smem:$0x3FAF]  }
0x29: {  	s4 =	sld [smem:$0x3FB1]  }
0x2a: {  	p0 =	seq.s32 s5, $0x0;
	s5 =	sld [smem:$0x3FB2]  }
0x2b: {  	s6 =	sld [smem:$0x3FB3]  }
0x2c: {  	s7 =	sld [smem:$0x3FB4]  }
0x2d: {  	s3 =	simm.s32 $0x108;
	s8 =	sld [smem:$0x3FB5]  }
0x2e: {  	s3 =	simm.s32 @!p0 $0x1082;
	s9 =	sld [smem:$0x3FB6]  }
0x2f: {  	lr =	sadd.s32 s0, s3;
	s0 =	sld [smem:$0x3FAD]  }
0x30: {  	s3 =	sld [smem:$0x3FB0]  }
0x31: {  	[smem:$0x3FB9] =	sst s10  }
0x32: {  	s10 =	sld [smem:$0x3FB7];
	_ =	sdelay $0x3  }
0x33: {  	p0 =	seq.s32 s10, $0x1;
	s10 =	sld [smem:$0x3FB9];
	_ =	sdelay $0x3  }
0x34: {  	[smem:$0x3FB9] =	sst s10  }
0x35: {  	s10 =	sld [smem:$0x3FB8];
	_ =	sdelay $0x3  }
0x36: {  	p1 =	seq.s32 s10, $0x1;
	s10 =	sld [smem:$0x3FB9];
	_ =	sdelay $0x3  }
0x37: {  	[smem:$0x3FB9] =	sst s10  }
0x38: {  	s10 =	sld [smem:$0x3FBA]  }
0x39: {  	_ = 	snop;
	(pc) =	sbr.ind lr, $3  }
0x3a: {  	_ = 	snop  }
0x3b: {  	_ = 	snop  }
0x3c: {  	p2 =	seq.s32 s10, $0x1;
	s10 =	sld [smem:$0x3FB9]  }
0x3d: {  	_ =	shalt  }
0x3e: {  	_ =	shalt  }
0x3f: {  	_ =	shalt  }
0x40: {  	_ =	shalt  }
0x41: {  	_ =	shalt  }
0x42: {  	_ =	shalt  }
0x43: {  	_ =	shalt  }
0x44: {  	_ =	shalt  }
0x45: {  	_ =	shalt  }
0x46: {  	_ =	shalt  }
0x47: {  	_ =	shalt  }
0x48: {  	_ =	shalt  }
0x49: {  	_ =	shalt  }
0x4a: {  	_ =	shalt  }
0x4b: {  	_ =	shalt  }
0x4c: {  	_ =	shalt  }
0x4d: {  	_ =	shalt  }
0x4e: {  	_ =	shalt  }
0x4f: {  	_ =	shalt  }
0x50: {  	_ =	shalt  }
0x51: {  	_ =	shalt  }
0x52: {  	_ =	shalt  }
0x53: {  	_ =	shalt  }
0x54: {  	_ =	shalt  }
0x55: {  	_ =	shalt  }
0x56: {  	_ =	shalt  }
0x57: {  	_ =	shalt  }
0x58: {  	_ =	shalt  }
0x59: {  	_ =	shalt  }
0x5a: {  	_ =	shalt  }
0x5b: {  	_ =	shalt  }
0x5c: {  	_ =	shalt  }
0x5d: {  	_ =	shalt  }
0x5e: {  	_ =	shalt  }
0x5f: {  	_ =	shalt  }
0x60: {  	_ =	shalt  }
0x61: {  	_ =	shalt  }
0x62: {  	_ =	shalt  }
0x63: {  	_ =	shalt  }
0x64: {  	_ =	shalt  }
0x65: {  	_ =	shalt  }
0x66: {  	_ =	shalt  }
0x67: {  	_ =	shalt  }
0x68: {  	_ =	shalt  }
0x69: {  	_ =	shalt  }
0x6a: {  	_ =	shalt  }
0x6b: {  	_ =	shalt  }
0x6c: {  	_ =	shalt  }
0x6d: {  	_ =	shalt  }
0x6e: {  	_ =	shalt  }
0x6f: {  	_ =	shalt  }
0x70: {  	_ =	shalt  }
0x71: {  	_ =	shalt  }
0x72: {  	_ =	shalt  }
0x73: {  	_ =	shalt  }
0x74: {  	_ =	shalt  }
0x75: {  	_ =	shalt  }
0x76: {  	_ =	shalt  }
0x77: {  	_ =	shalt  }
0x78: {  	_ =	shalt  }
0x79: {  	_ =	shalt  }
0x7a: {  	_ =	shalt  }
0x7b: {  	_ =	shalt  }
0x7c: {  	_ =	shalt  }
0x7d: {  	_ =	shalt  }
0x7e: {  	_ =	shalt  }
0x7f: {  	_ =	shalt  }
0x80: {  	_ =	shalt  }
0x81: {  	_ =	shalt  }
0x82: {  	_ =	shalt  }
0x83: {  	_ =	shalt  }
0x84: {  	_ =	shalt  }
0x85: {  	_ =	shalt  }
0x86: {  	_ =	shalt  }
0x87: {  	_ =	shalt  }
.Lfunc_end0:
.L_simem_size_0:
called_computation_lowered:
.L_overlay_start_0:
0x88: {  	s2 =	sld [smem:$0x3FD9]  }
0x89: {  	s3 =	sld [smem:$0x3FFE];
	_ =	sdelay $0x1  }
0x8a: {  	s1 =	srdreg.scid  }
0x8b: {  	s0 =	sand.u32 $0x1, s1  }
0x8c: {  	s14 =	sshll.u32 s0, $0xA;
	s2 =	sadd.s32 s3, s2  }
0x8d: {  	s2 =	sadd.s32 s2, s14  }
0x8e: {  	[smem:$0x3FC5] =	sst s2  }
0x8f: {  	_ = 	snop  }
0x90: {  	s2 =	sld [smem:$0x3FD0];
	_ =	sdelay $0x2  }
0x91: {  	s4 =	simm.s32 $0xA;
	s5 =	simm.s32 $0x10;
	s15 =	sld [smem:$0x3FC8]  }
0x92: {  	[smem:s5], [sflag:s4] =	dma.local [hbm:s2], $0x1  }
0x93: {  	_ =	swait.eq [sflag:s4], $0x1  }
0x94: {  	[sflag:s4] =	ssyncset.done $0x0  }
0x95: {  	[sflag:s4] =	ssyncadd.s32 $0xFFFFFFFF  }
0x96: {  	s16 =	sld [smem:$0x10];
	(tm) =	ssettm $0x1  }
0x97: {  	s17 =	sld [smem:$0x3FFB];
	_ =	sdelay $0x3  }
0x98: {  	_ =	strace s17  }
0x99: {  	s4 =	sld [smem:$0x3FFC];
	_ =	sdelay $0x3  }
0x9a: {  	_ =	strace s4  }
0x9b: {  	s4 =	sld [smem:$0x3FFD];
	_ =	sdelay $0x3  }
0x9c: {  	_ =	strace s4  }
0x9d: {  	_ =	strace $0x8FFFFFFF  }
0x9e: {  	s18 =	sld [smem:$0x3FDB];
	_ =	sdelay $0x1  }
0x9f: {  	s19 =	simm.s32 $_scs_section_size  }
0xa0: {  	s6 =	simm.s32 $_size__tile_overlayer_lowered;
	s7 =	simm.s32 $_tile_overlayer_lowered  }
0xa1: {  	s22 =	simm.s32 $0x1BFF;
	s21 =	sshll.u32 s7, $0x1;
	s4 =	sadd.s32 s19, s18  }
0xa2: {  	s8 =	simm.s32 $0x0;
	s20 =	sshll.u32 s6, $0x1;
	s6 =	sadd.s32 s21, s4  }
0xa3: {  	[timem:s8], [sflag:s22] =	dma.local [hbm:s6], s20  }
0xa4: {  	_ =	swait.ge [sflag:s22], s20  }
0xa5: {  	s5 =	ssub.s32 $0x0, s20;
	[sflag:s22] =	ssyncset.done $0x0  }
0xa6: {  	[sflag:s22] =	ssyncadd.s32 s5;
	_ =	sdelay $0x1  }
0xa7: {  	s23 =	simm.s32 $0x1B8B  }
0xa8: {  	_ =	swait.ge [sflag:s23], $0x1  }
0xa9: {  	[sflag:s23] =	ssyncset.done $0x0  }
0xaa: {  	s25 =	simm.s32 $0x1B8E;
	s24 =	sld [smem:$0x3FFE];
	[sflag:s23] =	ssyncadd.s32 $0xFFFFFFFF  }
0xab: {  	s26 =	simm.s32 $execute0_lowered;
	[smem:$0x3FD2] =	sst s25  }
0xac: {  	s6 =	sshll.u32 s26, $0x1;
	_ =	strace $0x80000046;
	[dreg:$0x1] =	wrdreg $0xFFFFFFFF  }
0xad: {  	s28 =	simm.s32 $_size_execute0_lowered;
	s4 =	sadd.s32 s4, s6;
	[dreg:$0x0] =	wrdreg $0x0  }
0xae: {  	s6 =	sshll.u32 s28, $0x1;
	[dreg:$0x2] =	wrdreg s4  }
0xaf: {  	[dreg:$0x3] =	wrdreg s6  }
0xb0: {  	[dreg:$0x4] =	wrdreg $0xC0  }
0xb1: {  	_ =	task [dreg:s8], $0x5FFFF  }
0xb2: {  	[dreg:$0x1] =	wrdreg $0xFFFFFFFF  }
0xb3: {  	[dreg:$0x0] =	wrdreg $0x60  }
0xb4: {  	[dreg:$0x2] =	wrdreg s15  }
0xb5: {  	[dreg:$0x3] =	wrdreg s24  }
0xb6: {  	[dreg:$0x4] =	wrdreg s16  }
0xb7: {  	[dreg:$0x5] =	wrdreg $0x9  }
0xb8: {  	_ =	task.clear_ibuf [dreg:s8], $0x6FFFF;
	_ =	strace $0x90000046  }
0xb9: {  	s29 =	simm.s32 $0x9;
	_ =	strace $0x80000048  }
0xba: {  	_ =	swait.ge [sflag:s29], $0x1  }
0xbb: {  	[sflag:s29] =	ssyncadd.s32 $0xFFFFFFFF  }
0xbc: {  	_ =	strace $0x90000048  }
0xbd: {  	_ =	sfence  }
0xbe: {  	s30 =	sld [smem:$0x0];
	_ =	sdelay $0x2  }
0xbf: {  	s31 =	sshll.u32 s1, $0xD;
	s1 =	sshrl.u32 s1, $0x2  }
0xc0: {  	s3 =	sand.u32 $0x4000, s31;
	s1 =	sadd.s32 s1, s30  }
0xc1: {  	s0 =	sor.u32 s3, s0;
	s1 =	sshll.u32 s1, $0x11  }
0xc2: {  	s0 =	sor.u32 s1, s0  }
0xc3: {  	s0 =	sadd.s32 $0x8F2B, s0  }
0xc4: {  	[sflag:s0] =	ssyncadd.remote.s32 $0x1  }
0xc5: {  	_ =	sfence.sel $0xFFFF  }
0xc6: {  	[dreg:$0x0] =	wrdreg $0xFFFFFFFF;
	(pc) =	sbr.abs _section_cstart, $3  }
0xc7: {  	[dreg:$0x1] =	wrdreg $0xFFFFFFFF  }
0xc8: {  	_ =	task.clear_ibuf [dreg:s8], $0x2FFFF;
	_ =	strace $0x9FFFFFFF  }
0xc9: {  	(tm) =	ssettm $0x7FFFFFFF  }
tec
execute0_lowered:
.L_overlay_start_1:
0x0: {  	(tag) =	ssettag $0x1  }
0x1: {  	s2 =	srdreg.scid  }
0x2: {  	s1 =	rddreg [dreg:$0x0];
	s0 =	stileid.u32;
	s10 =	sand.u32 $0x1, s2  }
0x3: {  	s4 =	rddreg [dreg:$0x1];
	s30 =	sshll.u32 s0, $0x5;
	s3 =	sshll.u32 s10, $0x4  }
0x4: {  	s12 =	rddreg [dreg:$0x2];
	s13 =	sor.u32 s3, s30  }
0x5: {  	s2 =	rddreg [dreg:$0x3];
	s3 =	simm.s32 $0x0;
	s5 =	sshrl.u32 s13, $0x3  }
0x6: {  	[smem:$0x7FF] =	sst s3;
	s4 =	sadd.s32 s5, s4  }
0x7: {  	_ =	strace $0x80000047;
	s5 =	sadd.s32 $0x800, s4;
	s4 =	simm.s32 $0x2  }
0x8: {  	[tilespmem:s3], [sflag:$0x2] =	stream.linear.gather [hbm4b:s5+s3], $0x10, $0x38;
	[tilespmem:$0x2080] =	vst v63  }
0x9: {  	_ =	swait.ge [sflag:s4], $0x10  }
0xa: {  	[sflag:s4] =	ssyncset.done $0x0  }
0xb: {  	[sflag:s4] =	ssyncadd.s32 $0xFFFFFFF0  }
0xc: {  	v0 =	vld [tilespmem:$0x0];
	_ =	sdelay $0x4  }
0xd: {  	v1 =	vshll.u32 v0, $0x2  }
0xe: {  	v2 =	vlaneseq.u32;
	v3 =	vand.u32 $0x7, v0;
	v1 =	vand.u32 $0xFFFFFFE0, v1  }
0xf: {  	v4 =	vshrl.u32 v2, $0x3;
	v0 =	vand.u32 $0x7, v2;
	v3 =	vor.u32 v3, v1  }
0x10: {  	v1 =	vmul.u32 $0x8, v4;
	v63 =	vperm.xlane v3, v0;
	_ =	sdelay $0x1  }
0x11: {  	v4 =	vadd.s32 v1, v63  }
0x12: {  	v2 =	vor.u32 $0x8, v2  }
0x13: {  	v3 =	vperm.xlane v3, v2;
	_ =	sdelay $0x1  }
0x14: {  	vm0 =	vmmov $0xffff;
	s6 =	simm.s32 $0x80;
	s14 =	ssub.s32 $0x2, s10;
	v3 =	vadd.s32 v1, v3  }
0x15: {  	[tilespmem:s6], [sflag:$0x1] =	stream.indirect_vreg.gather [hbm4b:s1+s3], $0x80, v4, vm0, $0xb8;
	[tilespmem:$0x2080] =	vst v63  }
0x16: {  	s8 =	simm.s32 $0x880;
	s7 =	sadd.s32 $0x100, s1;
	s15 =	sshrl.u32 s14, $0x1  }
0x17: {  	[tilespmem:s8], [sflag:$0x1] =	stream.indirect_vreg.gather [hbm4b:s7+s3], $0x80, v4, vm0, $0xb8;
	[tilespmem:$0x2080] =	vst v63  }
0x18: {  	s9 =	simm.s32 $0x1080;
	s14 =	ssub.s32 s14, s15  }
0x19: {  	[tilespmem:s9], [sflag:$0x1] =	stream.indirect_vreg.gather [hbm4b:s1+s3], $0x80, v3, vm0, $0xb8;
	[tilespmem:$0x2080] =	vst v63  }
0x1a: {  	s11 =	simm.s32 $0x1;
	s10 =	simm.s32 $0x1880;
	s31 =	smax.u32 s14, $0x1  }
0x1b: {  	[tilespmem:s10], [sflag:$0x1] =	stream.indirect_vreg.gather [hbm4b:s7+s3], $0x80, v3, vm0, $0xb8;
	[tilespmem:$0x2080] =	vst v63  }
0x1c: {  	p0 =	sne.s32 s31, $0x1;
	_ =	swait.ge [sflag:s11], $0x2000  }
.Ltmp0:
0x1d: {  	s13 =	sshll.u32 s13, $0x6;
	[sflag:s11] =	ssyncset.done $0x0;
	(pc) =	sbr.rel @!p0 .LBB2_2-.Ltmp0, $4  }
0x1e: {  	s12 =	sadd.s32 s12, s13;
	[sflag:s11] =	ssyncadd.s32 $0xFFFFE000  }
0x1f: {  	[hbm4b:s12+s3] =	stream.linear.scatter [tilespmem:s6], [sflag:$0x2], $0x2000, $0x38;
	[tilespmem:$0x2080] =	vst v63  }
0x20: {  	_ =	swait.ge [sflag:s4], $0x2000  }
0x21: {  	s13 =	sadd.s32 $0xFFFFFFFF, s31;
	[sflag:s4] =	ssyncset.done $0x0  }
.LBB2_1:
0x22: {  	p0 =	sne.s32 s13, $0x1;
	s13 =	sadd.s32 $0xFFFFFFFF, s13;
	[sflag:s4] =	ssyncadd.s32 $0xFFFFE000  }
0x23: {  	[tilespmem:s3], [sflag:$0x2] =	stream.linear.gather [hbm4b:s5+s3], $0x10, $0x38;
	[tilespmem:$0x2080] =	vst v63  }
0x24: {  	_ =	swait.ge [sflag:s4], $0x10  }
0x25: {  	[sflag:s4] =	ssyncset.done $0x0  }
0x26: {  	[sflag:s4] =	ssyncadd.s32 $0xFFFFFFF0  }
0x27: {  	v3 =	vld [tilespmem:$0x0];
	_ =	sdelay $0x4  }
0x28: {  	v4 =	vshll.u32 v3, $0x2  }
0x29: {  	v3 =	vand.u32 $0x7, v3;
	v4 =	vand.u32 $0xFFFFFFE0, v4  }
0x2a: {  	v3 =	vor.u32 v3, v4  }
0x2b: {  	v4 =	vperm.xlane v3, v0;
	v3 =	vperm.xlane v3, v2;
	_ =	sdelay $0x1  }
0x2c: {  	v4 =	vadd.s32 v1, v4;
	_ =	sdelay $0x3  }
0x2d: {  	v3 =	vadd.s32 v1, v3  }
0x2e: {  	[tilespmem:s6], [sflag:$0x1] =	stream.indirect_vreg.gather [hbm4b:s1+s3], $0x80, v4, vm0, $0xb8;
	[tilespmem:$0x2080] =	vst v63  }
0x2f: {  	_ = 	snop  }
0x30: {  	[tilespmem:s8], [sflag:$0x1] =	stream.indirect_vreg.gather [hbm4b:s7+s3], $0x80, v4, vm0, $0xb8;
	[tilespmem:$0x2080] =	vst v63  }
0x31: {  	_ = 	snop  }
0x32: {  	[tilespmem:s9], [sflag:$0x1] =	stream.indirect_vreg.gather [hbm4b:s1+s3], $0x80, v3, vm0, $0xb8;
	[tilespmem:$0x2080] =	vst v63  }
0x33: {  	_ = 	snop  }
0x34: {  	[tilespmem:s10], [sflag:$0x1] =	stream.indirect_vreg.gather [hbm4b:s7+s3], $0x80, v3, vm0, $0xb8;
	[tilespmem:$0x2080] =	vst v63  }
0x35: {  	_ =	swait.ge [sflag:s11], $0x2000  }
.Ltmp1:
0x36: {  	[sflag:s11] =	ssyncset.done $0x0;
	(pc) =	sbr.rel @p0 .LBB2_1-.Ltmp1, $4  }
0x37: {  	[sflag:s11] =	ssyncadd.s32 $0xFFFFE000  }
0x38: {  	[hbm4b:s12+s3] =	stream.linear.scatter [tilespmem:s6], [sflag:$0x2], $0x2000, $0x38;
	[tilespmem:$0x2080] =	vst v63  }
0x39: {  	_ =	swait.ge [sflag:s4], $0x2000  }
0x3a: {  	[sflag:s4] =	ssyncset.done $0x0  }
.LBB2_2:
0x3b: {  	[sflag:s4] =	ssyncadd.s32 $0xFFFFE000  }
0x3c: {  	_ =	sfence.sel $0x180000  }
0x3d: {  	[bflag:$0x0] =	sbarrier.arrive $0xFFFF  }
0x3e: {  	p0 =	sne.s32 s0, $0x0;
	_ =	strace $0x90000047  }
0x3f: {  	s0 =	sadd.s32 @!p0 $0x100000, s2;
	[bflag:$0x2] =	sbarrier.arrive $0xFFFF  }
0x40: {  	[sflag:s0] =	ssyncadd.tile.s32 @!p0 $0x1;
	_ =	shalt  }
.Lfunc_end2:
_tile_overlayer_lowered:
.L_overlay_start_2:
0x41: {  	(tag) =	ssettag $0x2  }
0x42: {  	s0 =	rddreg [dreg:$0x0];
	s2 =	stileid.u32  }
0x43: {  	s1 =	rddreg [dreg:$0x1];
	p0 =	sne.s32 s2, $0x0  }
0x44: {  	s3 =	rddreg [dreg:$0x2];
	[bflag:$0x3] =	sbarrier.arrive $0xFFFF;
	s2 =	simm.s32 @!p0 $0x1C02  }
0x45: {  	[timem:s3], [sflag:s2] =	dma.local @!p0 [hbm:s0], s1  }
0x46: {  	s0 =	simm.s32 @!p0 $0x2  }
0x47: {  	_ =	swait.ge @!p0 [sflag:s0], s1  }
0x48: {  	s1 =	ssub.s32 @!p0 $0x0, s1;
	[sflag:s0] =	ssyncset.done @!p0 $0x0  }
0x49: {  	[sflag:s0] =	ssyncadd.s32 @!p0 s1  }
0x4a: {  	[bflag:$0x3] =	sbarrier.arrive $0xFFFF  }
0x4b: {  	_ =	shalt  }

</sc_bundles>
